<compile_context>
chip_gen: v7x
topology: tpu7x:2x2x1
jax: 0.10.2.dev20260603
libtpu: 0.0.44.dev20260713+nightly
codegen_flags: <defaults>
</compile_context>

<pallas_src>
import functools

import jax
import jax.numpy as jnp
from jax import lax
from jax.experimental import pallas as pl
from jax.experimental.pallas import tpu as pltpu
from jax.experimental.pallas import tpu_sc as plsc

_WORD_NUM = 1000000
_EMBED_DIM = 64
_BATCH = 16384
_HIST = 50

_info = plsc.get_sparse_core_info()
_NC = _info.num_cores
_NS = _info.num_subcores
_NW = _NC * _NS
_BPW = _BATCH // _NW
_CB = 256
_SPLIT = _BPW // _CB
_G = _HIST * _SPLIT
_NBUF = 4

_mesh = plsc.VectorSubcoreMesh(core_axis_name="c", subcore_axis_name="s")


@functools.partial(
    pl.kernel,
    mesh=_mesh,
    out_type=jax.ShapeDtypeStruct((_HIST, _BATCH, _EMBED_DIM), jnp.float32),
    compiler_params=pltpu.CompilerParams(use_tc_tiling_on_sc=False),
    scratch_types=(
        [pltpu.VMEM((_HIST, _BPW), jnp.int32),
         pltpu.VMEM((_NBUF, _CB, _EMBED_DIM), jnp.float32)]
        + [pltpu.SemaphoreType.DMA] * (2 * _NBUF)
    ),
)
def _sc_gather(table_hbm, idx_hbm, out_hbm, idx_v, rows_v, *sems):
    sem_g = sems[:_NBUF]
    sem_o = sems[_NBUF:]
    wid = lax.axis_index("s") * _NC + lax.axis_index("c")
    base = wid * _BPW
    pltpu.sync_copy(idx_hbm.at[:, pl.ds(base, _BPW)], idx_v)

    def chunk_idx(g):
        h = g // _SPLIT
        r = g % _SPLIT
        return idx_v.at[h, pl.ds(r * _CB, _CB)]

    def start_gather(g, b):
        pltpu.async_copy(table_hbm.at[chunk_idx(g)], rows_v.at[b], sem_g[b])

    def wait_gather(g, b):
        pltpu.make_async_copy(table_hbm.at[chunk_idx(g)], rows_v.at[b],
                              sem_g[b]).wait()

    def out_slice(g):
        h = g // _SPLIT
        r = g % _SPLIT
        return out_hbm.at[h, pl.ds(base + r * _CB, _CB)]

    for b in range(_NBUF):
        start_gather(b, b)

    def super_body(s, carry):
        for b in range(_NBUF):
            g = s * _NBUF + b
            wait_gather(g, b)
            pltpu.async_copy(rows_v.at[b], out_slice(g), sem_o[b])

            @pl.when(g + _NBUF < _G)
            def _():
                pltpu.make_async_copy(rows_v.at[b], out_slice(g),
                                      sem_o[b]).wait()
                start_gather(g + _NBUF, b)

        return carry

    lax.fori_loop(0, _G // _NBUF, super_body, 0)

    for b in range(_NBUF):
        g = _G - _NBUF + b
        pltpu.make_async_copy(rows_v.at[b], out_slice(g), sem_o[b]).wait()


def kernel(input_x, weight):
    idx_t = jnp.transpose(input_x.astype(jnp.int32))
    out_t = _sc_gather(weight, idx_t)
    return jnp.transpose(out_t, (1, 0, 2))

# --- scband reference (transcript-rebuilt; emitter-appended) ---
"""Pipeline reference for scband-embedding-layer-17626545783378 (READ-ONLY COPY).

The authoritative reference and input builder live on the scoring server;
editing this copy changes nothing except your own understanding.
"""

import jax, jax.numpy as jnp
import numpy as np

WORD_NUM = 1000000
EMBED_DIM = 64
BATCH = 16384
HIST = 50

def setup_inputs(seed: int = 0) -> dict:
    key = jax.random.key(seed)
    k_idx, k_w = jax.random.split(key)
    input_x = jax.random.randint(k_idx, (BATCH, HIST), 0, WORD_NUM, dtype=jnp.int64 if jax.config.jax_enable_x64 else jnp.int32)
    # xavier_normal_ init: std = sqrt(2 / (fan_in + fan_out))
    std = float(np.sqrt(2.0 / (WORD_NUM + EMBED_DIM)))
    weight = jax.random.normal(k_w, (WORD_NUM, EMBED_DIM), dtype=jnp.float32) * std
    return {"input_x": input_x, "weight": weight}

def reference(input_x, weight):
    # torch.nn.Embedding forward == row gather from the table
    return jnp.take(weight, input_x, axis=0)

if __name__ == "__main__":
    import jax
    _d = setup_inputs()
    print(jax.jit(kernel)(*tuple(_d.values())))

</pallas_src>

<mosaic_0001>
#map = affine_map<(d0, d1) -> (0, 0)>
#map1 = affine_map<(d0, d1) -> (0, 0, 0)>
module attributes {stable_mosaic.version = 14 : i64} {
  func.func @_sc_gather(%arg0: i32, %arg1: i32, %arg2: memref<1000000x64xf32, #tpu.memory_space<hbm>>, %arg3: memref<50x16384xi32, #tpu.memory_space<hbm>>, %arg4: memref<50x16384x64xf32, #tpu.memory_space<hbm>>, %arg5: memref<50x512xi32, #tpu.memory_space<vmem>>, %arg6: memref<4x256x64xf32, #tpu.memory_space<vmem>>, %arg7: memref<!tpu.dma_semaphore, #tpu.memory_space<semaphore_mem>>, %arg8: memref<!tpu.dma_semaphore, #tpu.memory_space<semaphore_mem>>, %arg9: memref<!tpu.dma_semaphore, #tpu.memory_space<semaphore_mem>>, %arg10: memref<!tpu.dma_semaphore, #tpu.memory_space<semaphore_mem>>, %arg11: memref<!tpu.dma_semaphore, #tpu.memory_space<semaphore_mem>>, %arg12: memref<!tpu.dma_semaphore, #tpu.memory_space<semaphore_mem>>, %arg13: memref<!tpu.dma_semaphore, #tpu.memory_space<semaphore_mem>>, %arg14: memref<!tpu.dma_semaphore, #tpu.memory_space<semaphore_mem>>) attributes {dimension_semantics = [#tpu.dimension_semantics<core_parallel>, #tpu.dimension_semantics<subcore_parallel>], iteration_bounds = array<i64: 2, 16>, scalar_prefetch = 0 : i64, scratch_operands = 10 : i64, tpu.core_type = #tpu.core_type<sc_vector_subcore>, window_params = [{transform_indices = #map}, {transform_indices = #map}, {transform_indices = #map1}]} {
    %mul3A = arith.constant 2 : i32
    %mul3A_0 = arith.muli %arg1, %mul3A : i32
    %add3A = arith.addi %mul3A_0, %arg0 : i32
    %mul3A_1 = arith.constant 512 : i32
    %mul3A_2 = arith.muli %add3A, %mul3A_1 : i32
    "tpu.region"() ({
      %run_scoped3A = tpu.sem_alloc : memref<!tpu.dma_semaphore, #tpu.memory_space<semaphore_mem>>
      %dma_start3A_126 = arith.constant 0 : i32
      %dma_start3A_127 = tpu.memref_slice %arg3[%dma_start3A_126, %mul3A_2] : memref<50x16384xi32, #tpu.memory_space<hbm>> -> memref<50x512xi32, #tpu.memory_space<hbm>>
      %dma_start3A_128 = arith.constant 0 : i32
      %dma_start3A_129 = tpu.memref_slice %arg3[%dma_start3A_128, %mul3A_2] : memref<50x16384xi32, #tpu.memory_space<hbm>> -> memref<50x512xi32, #tpu.memory_space<hbm>>
      tpu.enqueue_dma source(%dma_start3A_129 : memref<50x512xi32, #tpu.memory_space<hbm>>) target(%arg5 : memref<50x512xi32, #tpu.memory_space<vmem>>) target_semaphore(%run_scoped3A : memref<!tpu.dma_semaphore, #tpu.memory_space<semaphore_mem>>)
      %dma_wait3A_130 = arith.constant 0 : i32
      %dma_wait3A_131 = tpu.memref_slice %arg3[%dma_wait3A_130, %mul3A_2] : memref<50x16384xi32, #tpu.memory_space<hbm>> -> memref<50x512xi32, #tpu.memory_space<hbm>>
      %dma_wait3A_132 = arith.constant 0 : i32
      %dma_wait3A_133 = tpu.memref_slice %arg3[%dma_wait3A_132, %mul3A_2] : memref<50x16384xi32, #tpu.memory_space<hbm>> -> memref<50x512xi32, #tpu.memory_space<hbm>>
      tpu.wait_dma2 semaphore(%run_scoped3A : memref<!tpu.dma_semaphore, #tpu.memory_space<semaphore_mem>>) src(%dma_wait3A_133 : memref<50x512xi32, #tpu.memory_space<hbm>>) dst(%arg5 : memref<50x512xi32, #tpu.memory_space<vmem>>)
      tpu.yield
    }) : () -> ()
    %dma_start3A = arith.constant 0 : i32
    %dma_start3A_3 = arith.constant 0 : i32
    %dma_start3A_4 = arith.constant 0 : i32
    %dma_start3A_5 = arith.constant 0 : i32
    %dma_start3A_6 = tpu.memref_slice %arg6[%dma_start3A_3, %dma_start3A_4, %dma_start3A_5] : memref<4x256x64xf32, #tpu.memory_space<vmem>> -> memref<1x256x64xf32, #tpu.memory_space<vmem>>
    %dma_start3A_7 = tpu.memref_squeeze %dma_start3A_6 : memref<1x256x64xf32, #tpu.memory_space<vmem>> -> memref<256x64xf32, #tpu.memory_space<vmem>>
    %dma_start3A_8 = arith.constant 0 : i32
    %dma_start3A_9 = tpu.memref_slice %arg5[%dma_start3A, %dma_start3A_8] : memref<50x512xi32, #tpu.memory_space<vmem>> -> memref<1x256xi32, #tpu.memory_space<vmem>>
    %dma_start3A_10 = tpu.memref_squeeze %dma_start3A_9 : memref<1x256xi32, #tpu.memory_space<vmem>> -> memref<256xi32, #tpu.memory_space<vmem>>
    %dma_start3A_11 = arith.constant 0 : i32
    %dma_start3A_12 = arith.constant 0 : i32
    %dma_start3A_13 = tpu.memref_slice %arg2[%dma_start3A_11, %dma_start3A_12] : memref<1000000x64xf32, #tpu.memory_space<hbm>> -> memref<1000000x64xf32, #tpu.memory_space<hbm>>
    tpu.enqueue_indirect_dma source(%dma_start3A_13 : memref<1000000x64xf32, #tpu.memory_space<hbm>>) target(%dma_start3A_7 : memref<256x64xf32, #tpu.memory_space<vmem>>) offsets(%dma_start3A_10 : memref<256xi32, #tpu.memory_space<vmem>>) semaphore(%arg7 : memref<!tpu.dma_semaphore, #tpu.memory_space<semaphore_mem>>)
    %dma_start3A_14 = arith.constant 0 : i32
    %dma_start3A_15 = arith.constant 1 : i32
    %dma_start3A_16 = arith.constant 0 : i32
    %dma_start3A_17 = arith.constant 0 : i32
    %dma_start3A_18 = tpu.memref_slice %arg6[%dma_start3A_15, %dma_start3A_16, %dma_start3A_17] : memref<4x256x64xf32, #tpu.memory_space<vmem>> -> memref<1x256x64xf32, #tpu.memory_space<vmem>>
    %dma_start3A_19 = tpu.memref_squeeze %dma_start3A_18 : memref<1x256x64xf32, #tpu.memory_space<vmem>> -> memref<256x64xf32, #tpu.memory_space<vmem>>
    %dma_start3A_20 = arith.constant 256 : i32
    %dma_start3A_21 = tpu.memref_slice %arg5[%dma_start3A_14, %dma_start3A_20] : memref<50x512xi32, #tpu.memory_space<vmem>> -> memref<1x256xi32, #tpu.memory_space<vmem>>
    %dma_start3A_22 = tpu.memref_squeeze %dma_start3A_21 : memref<1x256xi32, #tpu.memory_space<vmem>> -> memref<256xi32, #tpu.memory_space<vmem>>
    %dma_start3A_23 = arith.constant 0 : i32
    %dma_start3A_24 = arith.constant 0 : i32
    %dma_start3A_25 = tpu.memref_slice %arg2[%dma_start3A_23, %dma_start3A_24] : memref<1000000x64xf32, #tpu.memory_space<hbm>> -> memref<1000000x64xf32, #tpu.memory_space<hbm>>
    tpu.enqueue_indirect_dma source(%dma_start3A_25 : memref<1000000x64xf32, #tpu.memory_space<hbm>>) target(%dma_start3A_19 : memref<256x64xf32, #tpu.memory_space<vmem>>) offsets(%dma_start3A_22 : memref<256xi32, #tpu.memory_space<vmem>>) semaphore(%arg8 : memref<!tpu.dma_semaphore, #tpu.memory_space<semaphore_mem>>)
    %dma_start3A_26 = arith.constant 1 : i32
    %dma_start3A_27 = arith.constant 2 : i32
    %dma_start3A_28 = arith.constant 0 : i32
    %dma_start3A_29 = arith.constant 0 : i32
    %dma_start3A_30 = tpu.memref_slice %arg6[%dma_start3A_27, %dma_start3A_28, %dma_start3A_29] : memref<4x256x64xf32, #tpu.memory_space<vmem>> -> memref<1x256x64xf32, #tpu.memory_space<vmem>>
    %dma_start3A_31 = tpu.memref_squeeze %dma_start3A_30 : memref<1x256x64xf32, #tpu.memory_space<vmem>> -> memref<256x64xf32, #tpu.memory_space<vmem>>
    %dma_start3A_32 = arith.constant 0 : i32
    %dma_start3A_33 = tpu.memref_slice %arg5[%dma_start3A_26, %dma_start3A_32] : memref<50x512xi32, #tpu.memory_space<vmem>> -> memref<1x256xi32, #tpu.memory_space<vmem>>
    %dma_start3A_34 = tpu.memref_squeeze %dma_start3A_33 : memref<1x256xi32, #tpu.memory_space<vmem>> -> memref<256xi32, #tpu.memory_space<vmem>>
    %dma_start3A_35 = arith.constant 0 : i32
    %dma_start3A_36 = arith.constant 0 : i32
    %dma_start3A_37 = tpu.memref_slice %arg2[%dma_start3A_35, %dma_start3A_36] : memref<1000000x64xf32, #tpu.memory_space<hbm>> -> memref<1000000x64xf32, #tpu.memory_space<hbm>>
    tpu.enqueue_indirect_dma source(%dma_start3A_37 : memref<1000000x64xf32, #tpu.memory_space<hbm>>) target(%dma_start3A_31 : memref<256x64xf32, #tpu.memory_space<vmem>>) offsets(%dma_start3A_34 : memref<256xi32, #tpu.memory_space<vmem>>) semaphore(%arg9 : memref<!tpu.dma_semaphore, #tpu.memory_space<semaphore_mem>>)
    %dma_start3A_38 = arith.constant 1 : i32
    %dma_start3A_39 = arith.constant 3 : i32
    %dma_start3A_40 = arith.constant 0 : i32
    %dma_start3A_41 = arith.constant 0 : i32
    %dma_start3A_42 = tpu.memref_slice %arg6[%dma_start3A_39, %dma_start3A_40, %dma_start3A_41] : memref<4x256x64xf32, #tpu.memory_space<vmem>> -> memref<1x256x64xf32, #tpu.memory_space<vmem>>
    %dma_start3A_43 = tpu.memref_squeeze %dma_start3A_42 : memref<1x256x64xf32, #tpu.memory_space<vmem>> -> memref<256x64xf32, #tpu.memory_space<vmem>>
    %dma_start3A_44 = arith.constant 256 : i32
    %dma_start3A_45 = tpu.memref_slice %arg5[%dma_start3A_38, %dma_start3A_44] : memref<50x512xi32, #tpu.memory_space<vmem>> -> memref<1x256xi32, #tpu.memory_space<vmem>>
    %dma_start3A_46 = tpu.memref_squeeze %dma_start3A_45 : memref<1x256xi32, #tpu.memory_space<vmem>> -> memref<256xi32, #tpu.memory_space<vmem>>
    %dma_start3A_47 = arith.constant 0 : i32
    %dma_start3A_48 = arith.constant 0 : i32
    %dma_start3A_49 = tpu.memref_slice %arg2[%dma_start3A_47, %dma_start3A_48] : memref<1000000x64xf32, #tpu.memory_space<hbm>> -> memref<1000000x64xf32, #tpu.memory_space<hbm>>
    tpu.enqueue_indirect_dma source(%dma_start3A_49 : memref<1000000x64xf32, #tpu.memory_space<hbm>>) target(%dma_start3A_43 : memref<256x64xf32, #tpu.memory_space<vmem>>) offsets(%dma_start3A_46 : memref<256xi32, #tpu.memory_space<vmem>>) semaphore(%arg10 : memref<!tpu.dma_semaphore, #tpu.memory_space<semaphore_mem>>)
    %scan3A = arith.constant 0 : i32
    %scan3A_50 = arith.constant 0 : i32
    %scan3A_51 = arith.constant 25 : i32
    %scan3A_52 = arith.addi %scan3A_50, %scan3A_51 : i32
    %scan3A_53 = arith.constant 1 : i32
    scf.for %scan3A_126 = %scan3A_50 to %scan3A_52 step %scan3A_53  : i32 {
      %mul3A_127 = arith.constant 4 : i32
      %mul3A_128 = arith.muli %scan3A_126, %mul3A_127 : i32
      %add3A_129 = arith.constant 0 : i32
      %add3A_130 = arith.addi %mul3A_128, %add3A_129 : i32
      %jit3A = arith.constant 2 : i32
      %div3A = arith.divsi %add3A_130, %jit3A : i32
      %sign3A = arith.constant 0 : i32
      %sign3A_131 = arith.cmpi sgt, %add3A_130, %sign3A : i32
      %sign3A_132 = arith.extui %sign3A_131 : i1 to i32
      %sign3A_133 = arith.constant 0 : i32
      %sign3A_134 = arith.cmpi slt, %add3A_130, %sign3A_133 : i32
      %sign3A_135 = arith.extui %sign3A_134 : i1 to i32
      %sign3A_136 = arith.subi %sign3A_132, %sign3A_135 : i32
      %sign3A_137 = arith.constant 0 : i32
      %sign3A_138 = arith.cmpi sgt, %jit3A, %sign3A_137 : i32
      %sign3A_139 = arith.extui %sign3A_138 : i1 to i32
      %sign3A_140 = arith.constant 0 : i32
      %sign3A_141 = arith.cmpi slt, %jit3A, %sign3A_140 : i32
      %sign3A_142 = arith.extui %sign3A_141 : i1 to i32
      %sign3A_143 = arith.subi %sign3A_139, %sign3A_142 : i32
      %ne3A = arith.cmpi ne, %sign3A_136, %sign3A_143 : i32
      %rem3A = arith.remsi %add3A_130, %jit3A : i32
      %ne3A_144 = arith.constant 0 : i32
      %ne3A_145 = arith.cmpi ne, %rem3A, %ne3A_144 : i32
      %and3A = arith.andi %ne3A, %ne3A_145 : i1
      %sub3A = arith.constant 1 : i32
      %sub3A_146 = arith.subi %div3A, %sub3A : i32
      %select_n3A = arith.select %and3A, %sub3A_146, %div3A : i32
      %jit3A_147 = arith.constant 2 : i32
      %eq3A = arith.constant 0 : i32
      %eq3A_148 = arith.cmpi eq, %jit3A_147, %eq3A : i32
      %jit3A_149 = arith.constant 1 : i32
      %select_n3A_150 = arith.select %eq3A_148, %jit3A_149, %jit3A_147 : i32
      %rem3A_151 = arith.remsi %add3A_130, %select_n3A_150 : i32
      %ne3A_152 = arith.constant 0 : i32
      %ne3A_153 = arith.cmpi ne, %rem3A_151, %ne3A_152 : i32
      %lt3A = arith.constant 0 : i32
      %lt3A_154 = arith.cmpi slt, %rem3A_151, %lt3A : i32
      %lt3A_155 = arith.constant 0 : i32
      %lt3A_156 = arith.cmpi slt, %select_n3A_150, %lt3A_155 : i32
      %ne3A_157 = arith.xori %lt3A_154, %lt3A_156 : i1
      %and3A_158 = arith.andi %ne3A_157, %ne3A_153 : i1
      %add3A_159 = arith.addi %rem3A_151, %select_n3A_150 : i32
      %select_n3A_160 = arith.select %and3A_158, %add3A_159, %rem3A_151 : i32
      %mul3A_161 = arith.constant 256 : i32
      %mul3A_162 = arith.muli %select_n3A_160, %mul3A_161 : i32
      %dma_wait3A_163 = arith.constant 0 : i32
      %dma_wait3A_164 = arith.constant 0 : i32
      %dma_wait3A_165 = arith.constant 0 : i32
      %dma_wait3A_166 = tpu.memref_slice %arg6[%dma_wait3A_163, %dma_wait3A_164, %dma_wait3A_165] : memref<4x256x64xf32, #tpu.memory_space<vmem>> -> memref<1x256x64xf32, #tpu.memory_space<vmem>>
      %dma_wait3A_167 = tpu.memref_squeeze %dma_wait3A_166 : memref<1x256x64xf32, #tpu.memory_space<vmem>> -> memref<256x64xf32, #tpu.memory_space<vmem>>
      %dma_wait3A_168 = tpu.memref_slice %arg5[%select_n3A, %mul3A_162] : memref<50x512xi32, #tpu.memory_space<vmem>> -> memref<1x256xi32, #tpu.memory_space<vmem>>
      %dma_wait3A_169 = tpu.memref_squeeze %dma_wait3A_168 : memref<1x256xi32, #tpu.memory_space<vmem>> -> memref<256xi32, #tpu.memory_space<vmem>>
      %dma_wait3A_170 = arith.constant 0 : i32
      %dma_wait3A_171 = arith.constant 0 : i32
      %dma_wait3A_172 = tpu.memref_slice %arg2[%dma_wait3A_170, %dma_wait3A_171] : memref<1000000x64xf32, #tpu.memory_space<hbm>> -> memref<1000000x64xf32, #tpu.memory_space<hbm>>
      tpu.wait_indirect_dma semaphore(%arg7 : memref<!tpu.dma_semaphore, #tpu.memory_space<semaphore_mem>>) src(%dma_wait3A_172 : memref<1000000x64xf32, #tpu.memory_space<hbm>>) dst(%dma_wait3A_167 : memref<256x64xf32, #tpu.memory_space<vmem>>)
      %jit3A_173 = arith.constant 2 : i32
      %div3A_174 = arith.divsi %add3A_130, %jit3A_173 : i32
      %sign3A_175 = arith.constant 0 : i32
      %sign3A_176 = arith.cmpi sgt, %add3A_130, %sign3A_175 : i32
      %sign3A_177 = arith.extui %sign3A_176 : i1 to i32
      %sign3A_178 = arith.constant 0 : i32
      %sign3A_179 = arith.cmpi slt, %add3A_130, %sign3A_178 : i32
      %sign3A_180 = arith.extui %sign3A_179 : i1 to i32
      %sign3A_181 = arith.subi %sign3A_177, %sign3A_180 : i32
      %sign3A_182 = arith.constant 0 : i32
      %sign3A_183 = arith.cmpi sgt, %jit3A_173, %sign3A_182 : i32
      %sign3A_184 = arith.extui %sign3A_183 : i1 to i32
      %sign3A_185 = arith.constant 0 : i32
      %sign3A_186 = arith.cmpi slt, %jit3A_173, %sign3A_185 : i32
      %sign3A_187 = arith.extui %sign3A_186 : i1 to i32
      %sign3A_188 = arith.subi %sign3A_184, %sign3A_187 : i32
      %ne3A_189 = arith.cmpi ne, %sign3A_181, %sign3A_188 : i32
      %rem3A_190 = arith.remsi %add3A_130, %jit3A_173 : i32
      %ne3A_191 = arith.constant 0 : i32
      %ne3A_192 = arith.cmpi ne, %rem3A_190, %ne3A_191 : i32
      %and3A_193 = arith.andi %ne3A_189, %ne3A_192 : i1
      %sub3A_194 = arith.constant 1 : i32
      %sub3A_195 = arith.subi %div3A_174, %sub3A_194 : i32
      %select_n3A_196 = arith.select %and3A_193, %sub3A_195, %div3A_174 : i32
      %jit3A_197 = arith.constant 2 : i32
      %eq3A_198 = arith.constant 0 : i32
      %eq3A_199 = arith.cmpi eq, %jit3A_197, %eq3A_198 : i32
      %jit3A_200 = arith.constant 1 : i32
      %select_n3A_201 = arith.select %eq3A_199, %jit3A_200, %jit3A_197 : i32
      %rem3A_202 = arith.remsi %add3A_130, %select_n3A_201 : i32
      %ne3A_203 = arith.constant 0 : i32
      %ne3A_204 = arith.cmpi ne, %rem3A_202, %ne3A_203 : i32
      %lt3A_205 = arith.constant 0 : i32
      %lt3A_206 = arith.cmpi slt, %rem3A_202, %lt3A_205 : i32
      %lt3A_207 = arith.constant 0 : i32
      %lt3A_208 = arith.cmpi slt, %select_n3A_201, %lt3A_207 : i32
      %ne3A_209 = arith.xori %lt3A_206, %lt3A_208 : i1
      %and3A_210 = arith.andi %ne3A_209, %ne3A_204 : i1
      %add3A_211 = arith.addi %rem3A_202, %select_n3A_201 : i32
      %select_n3A_212 = arith.select %and3A_210, %add3A_211, %rem3A_202 : i32
      %mul3A_213 = arith.constant 256 : i32
      %mul3A_214 = arith.muli %select_n3A_212, %mul3A_213 : i32
      %add3A_215 = arith.addi %mul3A_2, %mul3A_214 : i32
      %dma_start3A_216 = arith.constant 0 : i32
      %dma_start3A_217 = arith.constant 0 : i32
      %dma_start3A_218 = arith.constant 0 : i32
      %dma_start3A_219 = tpu.memref_slice %arg6[%dma_start3A_216, %dma_start3A_217, %dma_start3A_218] : memref<4x256x64xf32, #tpu.memory_space<vmem>> -> memref<1x256x64xf32, #tpu.memory_space<vmem>>
      %dma_start3A_220 = tpu.memref_squeeze %dma_start3A_219 : memref<1x256x64xf32, #tpu.memory_space<vmem>> -> memref<256x64xf32, #tpu.memory_space<vmem>>
      %dma_start3A_221 = arith.constant 0 : i32
      %dma_start3A_222 = tpu.memref_slice %arg4[%select_n3A_196, %add3A_215, %dma_start3A_221] : memref<50x16384x64xf32, #tpu.memory_space<hbm>> -> memref<1x256x64xf32, #tpu.memory_space<hbm>>
      %dma_start3A_223 = tpu.memref_squeeze %dma_start3A_222 : memref<1x256x64xf32, #tpu.memory_space<hbm>> -> memref<256x64xf32, #tpu.memory_space<hbm>>
      %dma_start3A_224 = arith.constant 0 : i32
      %dma_start3A_225 = tpu.memref_slice %arg4[%select_n3A_196, %add3A_215, %dma_start3A_224] : memref<50x16384x64xf32, #tpu.memory_space<hbm>> -> memref<1x256x64xf32, #tpu.memory_space<hbm>>
      %dma_start3A_226 = tpu.memref_squeeze %dma_start3A_225 : memref<1x256x64xf32, #tpu.memory_space<hbm>> -> memref<256x64xf32, #tpu.memory_space<hbm>>
      %dma_start3A_227 = arith.constant 0 : i32
      %dma_start3A_228 = arith.constant 0 : i32
      %dma_start3A_229 = tpu.memref_slice %arg6[%dma_start3A_216, %dma_start3A_227, %dma_start3A_228] : memref<4x256x64xf32, #tpu.memory_space<vmem>> -> memref<1x256x64xf32, #tpu.memory_space<vmem>>
      %dma_start3A_230 = tpu.memref_squeeze %dma_start3A_229 : memref<1x256x64xf32, #tpu.memory_space<vmem>> -> memref<256x64xf32, #tpu.memory_space<vmem>>
      tpu.enqueue_dma source(%dma_start3A_230 : memref<256x64xf32, #tpu.memory_space<vmem>>) target(%dma_start3A_226 : memref<256x64xf32, #tpu.memory_space<hbm>>) target_semaphore(%arg11 : memref<!tpu.dma_semaphore, #tpu.memory_space<semaphore_mem>>)
      %add3A_231 = arith.constant 4 : i32
      %add3A_232 = arith.addi %add3A_130, %add3A_231 : i32
      %lt3A_233 = arith.constant 100 : i32
      %lt3A_234 = arith.cmpi slt, %add3A_232, %lt3A_233 : i32
      %convert_element_type3A = arith.extui %lt3A_234 : i1 to i32
      %cond3A = arith.constant 0 : i32
      %cond3A_235 = arith.cmpi ne, %convert_element_type3A, %cond3A : i32
      scf.if %cond3A_235 {
        %jit3A_599 = arith.constant 2 : i32
        %div3A_600 = arith.divsi %add3A_130, %jit3A_599 : i32
        %sign3A_601 = arith.constant 0 : i32
        %sign3A_602 = arith.cmpi sgt, %add3A_130, %sign3A_601 : i32
        %sign3A_603 = arith.extui %sign3A_602 : i1 to i32
        %sign3A_604 = arith.constant 0 : i32
        %sign3A_605 = arith.cmpi slt, %add3A_130, %sign3A_604 : i32
        %sign3A_606 = arith.extui %sign3A_605 : i1 to i32
        %sign3A_607 = arith.subi %sign3A_603, %sign3A_606 : i32
        %sign3A_608 = arith.constant 0 : i32
        %sign3A_609 = arith.cmpi sgt, %jit3A_599, %sign3A_608 : i32
        %sign3A_610 = arith.extui %sign3A_609 : i1 to i32
        %sign3A_611 = arith.constant 0 : i32
        %sign3A_612 = arith.cmpi slt, %jit3A_599, %sign3A_611 : i32
        %sign3A_613 = arith.extui %sign3A_612 : i1 to i32
        %sign3A_614 = arith.subi %sign3A_610, %sign3A_613 : i32
        %ne3A_615 = arith.cmpi ne, %sign3A_607, %sign3A_614 : i32
        %rem3A_616 = arith.remsi %add3A_130, %jit3A_599 : i32
        %ne3A_617 = arith.constant 0 : i32
        %ne3A_618 = arith.cmpi ne, %rem3A_616, %ne3A_617 : i32
        %and3A_619 = arith.andi %ne3A_615, %ne3A_618 : i1
        %sub3A_620 = arith.constant 1 : i32
        %sub3A_621 = arith.subi %div3A_600, %sub3A_620 : i32
        %select_n3A_622 = arith.select %and3A_619, %sub3A_621, %div3A_600 : i32
        %jit3A_623 = arith.constant 2 : i32
        %eq3A_624 = arith.constant 0 : i32
        %eq3A_625 = arith.cmpi eq, %jit3A_623, %eq3A_624 : i32
        %jit3A_626 = arith.constant 1 : i32
        %select_n3A_627 = arith.select %eq3A_625, %jit3A_626, %jit3A_623 : i32
        %rem3A_628 = arith.remsi %add3A_130, %select_n3A_627 : i32
        %ne3A_629 = arith.constant 0 : i32
        %ne3A_630 = arith.cmpi ne, %rem3A_628, %ne3A_629 : i32
        %lt3A_631 = arith.constant 0 : i32
        %lt3A_632 = arith.cmpi slt, %rem3A_628, %lt3A_631 : i32
        %lt3A_633 = arith.constant 0 : i32
        %lt3A_634 = arith.cmpi slt, %select_n3A_627, %lt3A_633 : i32
        %ne3A_635 = arith.xori %lt3A_632, %lt3A_634 : i1
        %and3A_636 = arith.andi %ne3A_635, %ne3A_630 : i1
        %add3A_637 = arith.addi %rem3A_628, %select_n3A_627 : i32
        %select_n3A_638 = arith.select %and3A_636, %add3A_637, %rem3A_628 : i32
        %mul3A_639 = arith.constant 256 : i32
        %mul3A_640 = arith.muli %select_n3A_638, %mul3A_639 : i32
        %add3A_641 = arith.addi %mul3A_2, %mul3A_640 : i32
        %dma_wait3A_642 = arith.constant 0 : i32
        %dma_wait3A_643 = arith.constant 0 : i32
        %dma_wait3A_644 = arith.constant 0 : i32
        %dma_wait3A_645 = tpu.memref_slice %arg6[%dma_wait3A_642, %dma_wait3A_643, %dma_wait3A_644] : memref<4x256x64xf32, #tpu.memory_space<vmem>> -> memref<1x256x64xf32, #tpu.memory_space<vmem>>
        %dma_wait3A_646 = tpu.memref_squeeze %dma_wait3A_645 : memref<1x256x64xf32, #tpu.memory_space<vmem>> -> memref<256x64xf32, #tpu.memory_space<vmem>>
        %dma_wait3A_647 = arith.constant 0 : i32
        %dma_wait3A_648 = tpu.memref_slice %arg4[%select_n3A_622, %add3A_641, %dma_wait3A_647] : memref<50x16384x64xf32, #tpu.memory_space<hbm>> -> memref<1x256x64xf32, #tpu.memory_space<hbm>>
        %dma_wait3A_649 = tpu.memref_squeeze %dma_wait3A_648 : memref<1x256x64xf32, #tpu.memory_space<hbm>> -> memref<256x64xf32, #tpu.memory_space<hbm>>
        %dma_wait3A_650 = arith.constant 0 : i32
        %dma_wait3A_651 = tpu.memref_slice %arg4[%select_n3A_622, %add3A_641, %dma_wait3A_650] : memref<50x16384x64xf32, #tpu.memory_space<hbm>> -> memref<1x256x64xf32, #tpu.memory_space<hbm>>
        %dma_wait3A_652 = tpu.memref_squeeze %dma_wait3A_651 : memref<1x256x64xf32, #tpu.memory_space<hbm>> -> memref<256x64xf32, #tpu.memory_space<hbm>>
        %dma_wait3A_653 = arith.constant 0 : i32
        %dma_wait3A_654 = arith.constant 0 : i32
        %dma_wait3A_655 = tpu.memref_slice %arg6[%dma_wait3A_642, %dma_wait3A_653, %dma_wait3A_654] : memref<4x256x64xf32, #tpu.memory_space<vmem>> -> memref<1x256x64xf32, #tpu.memory_space<vmem>>
        %dma_wait3A_656 = tpu.memref_squeeze %dma_wait3A_655 : memref<1x256x64xf32, #tpu.memory_space<vmem>> -> memref<256x64xf32, #tpu.memory_space<vmem>>
        tpu.wait_dma2 semaphore(%arg11 : memref<!tpu.dma_semaphore, #tpu.memory_space<semaphore_mem>>) src(%dma_wait3A_656 : memref<256x64xf32, #tpu.memory_space<vmem>>) dst(%dma_wait3A_652 : memref<256x64xf32, #tpu.memory_space<hbm>>)
        %add3A_657 = arith.constant 4 : i32
        %add3A_658 = arith.addi %add3A_130, %add3A_657 : i32
        %jit3A_659 = arith.constant 2 : i32
        %div3A_660 = arith.divsi %add3A_658, %jit3A_659 : i32
        %sign3A_661 = arith.constant 0 : i32
        %sign3A_662 = arith.cmpi sgt, %add3A_658, %sign3A_661 : i32
        %sign3A_663 = arith.extui %sign3A_662 : i1 to i32
        %sign3A_664 = arith.constant 0 : i32
        %sign3A_665 = arith.cmpi slt, %add3A_658, %sign3A_664 : i32
        %sign3A_666 = arith.extui %sign3A_665 : i1 to i32
        %sign3A_667 = arith.subi %sign3A_663, %sign3A_666 : i32
        %sign3A_668 = arith.constant 0 : i32
        %sign3A_669 = arith.cmpi sgt, %jit3A_659, %sign3A_668 : i32
        %sign3A_670 = arith.extui %sign3A_669 : i1 to i32
        %sign3A_671 = arith.constant 0 : i32
        %sign3A_672 = arith.cmpi slt, %jit3A_659, %sign3A_671 : i32
        %sign3A_673 = arith.extui %sign3A_672 : i1 to i32
        %sign3A_674 = arith.subi %sign3A_670, %sign3A_673 : i32
        %ne3A_675 = arith.cmpi ne, %sign3A_667, %sign3A_674 : i32
        %rem3A_676 = arith.remsi %add3A_658, %jit3A_659 : i32
        %ne3A_677 = arith.constant 0 : i32
        %ne3A_678 = arith.cmpi ne, %rem3A_676, %ne3A_677 : i32
        %and3A_679 = arith.andi %ne3A_675, %ne3A_678 : i1
        %sub3A_680 = arith.constant 1 : i32
        %sub3A_681 = arith.subi %div3A_660, %sub3A_680 : i32
        %select_n3A_682 = arith.select %and3A_679, %sub3A_681, %div3A_660 : i32
        %jit3A_683 = arith.constant 2 : i32
        %eq3A_684 = arith.constant 0 : i32
        %eq3A_685 = arith.cmpi eq, %jit3A_683, %eq3A_684 : i32
        %jit3A_686 = arith.constant 1 : i32
        %select_n3A_687 = arith.select %eq3A_685, %jit3A_686, %jit3A_683 : i32
        %rem3A_688 = arith.remsi %add3A_658, %select_n3A_687 : i32
        %ne3A_689 = arith.constant 0 : i32
        %ne3A_690 = arith.cmpi ne, %rem3A_688, %ne3A_689 : i32
        %lt3A_691 = arith.constant 0 : i32
        %lt3A_692 = arith.cmpi slt, %rem3A_688, %lt3A_691 : i32
        %lt3A_693 = arith.constant 0 : i32
        %lt3A_694 = arith.cmpi slt, %select_n3A_687, %lt3A_693 : i32
        %ne3A_695 = arith.xori %lt3A_692, %lt3A_694 : i1
        %and3A_696 = arith.andi %ne3A_695, %ne3A_690 : i1
        %add3A_697 = arith.addi %rem3A_688, %select_n3A_687 : i32
        %select_n3A_698 = arith.select %and3A_696, %add3A_697, %rem3A_688 : i32
        %mul3A_699 = arith.constant 256 : i32
        %mul3A_700 = arith.muli %select_n3A_698, %mul3A_699 : i32
        %dma_start3A_701 = arith.constant 0 : i32
        %dma_start3A_702 = arith.constant 0 : i32
        %dma_start3A_703 = arith.constant 0 : i32
        %dma_start3A_704 = tpu.memref_slice %arg6[%dma_start3A_701, %dma_start3A_702, %dma_start3A_703] : memref<4x256x64xf32, #tpu.memory_space<vmem>> -> memref<1x256x64xf32, #tpu.memory_space<vmem>>
        %dma_start3A_705 = tpu.memref_squeeze %dma_start3A_704 : memref<1x256x64xf32, #tpu.memory_space<vmem>> -> memref<256x64xf32, #tpu.memory_space<vmem>>
        %dma_start3A_706 = tpu.memref_slice %arg5[%select_n3A_682, %mul3A_700] : memref<50x512xi32, #tpu.memory_space<vmem>> -> memref<1x256xi32, #tpu.memory_space<vmem>>
        %dma_start3A_707 = tpu.memref_squeeze %dma_start3A_706 : memref<1x256xi32, #tpu.memory_space<vmem>> -> memref<256xi32, #tpu.memory_space<vmem>>
        %dma_start3A_708 = arith.constant 0 : i32
        %dma_start3A_709 = arith.constant 0 : i32
        %dma_start3A_710 = tpu.memref_slice %arg2[%dma_start3A_708, %dma_start3A_709] : memref<1000000x64xf32, #tpu.memory_space<hbm>> -> memref<1000000x64xf32, #tpu.memory_space<hbm>>
        tpu.enqueue_indirect_dma source(%dma_start3A_710 : memref<1000000x64xf32, #tpu.memory_space<hbm>>) target(%dma_start3A_705 : memref<256x64xf32, #tpu.memory_space<vmem>>) offsets(%dma_start3A_707 : memref<256xi32, #tpu.memory_space<vmem>>) semaphore(%arg7 : memref<!tpu.dma_semaphore, #tpu.memory_space<semaphore_mem>>)
      } else {
      }
      %mul3A_236 = arith.constant 4 : i32
      %mul3A_237 = arith.muli %scan3A_126, %mul3A_236 : i32
      %add3A_238 = arith.constant 1 : i32
      %add3A_239 = arith.addi %mul3A_237, %add3A_238 : i32
      %jit3A_240 = arith.constant 2 : i32
      %div3A_241 = arith.divsi %add3A_239, %jit3A_240 : i32
      %sign3A_242 = arith.constant 0 : i32
      %sign3A_243 = arith.cmpi sgt, %add3A_239, %sign3A_242 : i32
      %sign3A_244 = arith.extui %sign3A_243 : i1 to i32
      %sign3A_245 = arith.constant 0 : i32
      %sign3A_246 = arith.cmpi slt, %add3A_239, %sign3A_245 : i32
      %sign3A_247 = arith.extui %sign3A_246 : i1 to i32
      %sign3A_248 = arith.subi %sign3A_244, %sign3A_247 : i32
      %sign3A_249 = arith.constant 0 : i32
      %sign3A_250 = arith.cmpi sgt, %jit3A_240, %sign3A_249 : i32
      %sign3A_251 = arith.extui %sign3A_250 : i1 to i32
      %sign3A_252 = arith.constant 0 : i32
      %sign3A_253 = arith.cmpi slt, %jit3A_240, %sign3A_252 : i32
      %sign3A_254 = arith.extui %sign3A_253 : i1 to i32
      %sign3A_255 = arith.subi %sign3A_251, %sign3A_254 : i32
      %ne3A_256 = arith.cmpi ne, %sign3A_248, %sign3A_255 : i32
      %rem3A_257 = arith.remsi %add3A_239, %jit3A_240 : i32
      %ne3A_258 = arith.constant 0 : i32
      %ne3A_259 = arith.cmpi ne, %rem3A_257, %ne3A_258 : i32
      %and3A_260 = arith.andi %ne3A_256, %ne3A_259 : i1
      %sub3A_261 = arith.constant 1 : i32
      %sub3A_262 = arith.subi %div3A_241, %sub3A_261 : i32
      %select_n3A_263 = arith.select %and3A_260, %sub3A_262, %div3A_241 : i32
      %jit3A_264 = arith.constant 2 : i32
      %eq3A_265 = arith.constant 0 : i32
      %eq3A_266 = arith.cmpi eq, %jit3A_264, %eq3A_265 : i32
      %jit3A_267 = arith.constant 1 : i32
      %select_n3A_268 = arith.select %eq3A_266, %jit3A_267, %jit3A_264 : i32
      %rem3A_269 = arith.remsi %add3A_239, %select_n3A_268 : i32
      %ne3A_270 = arith.constant 0 : i32
      %ne3A_271 = arith.cmpi ne, %rem3A_269, %ne3A_270 : i32
      %lt3A_272 = arith.constant 0 : i32
      %lt3A_273 = arith.cmpi slt, %rem3A_269, %lt3A_272 : i32
      %lt3A_274 = arith.constant 0 : i32
      %lt3A_275 = arith.cmpi slt, %select_n3A_268, %lt3A_274 : i32
      %ne3A_276 = arith.xori %lt3A_273, %lt3A_275 : i1
      %and3A_277 = arith.andi %ne3A_276, %ne3A_271 : i1
      %add3A_278 = arith.addi %rem3A_269, %select_n3A_268 : i32
      %select_n3A_279 = arith.select %and3A_277, %add3A_278, %rem3A_269 : i32
      %mul3A_280 = arith.constant 256 : i32
      %mul3A_281 = arith.muli %select_n3A_279, %mul3A_280 : i32
      %dma_wait3A_282 = arith.constant 1 : i32
      %dma_wait3A_283 = arith.constant 0 : i32
      %dma_wait3A_284 = arith.constant 0 : i32
      %dma_wait3A_285 = tpu.memref_slice %arg6[%dma_wait3A_282, %dma_wait3A_283, %dma_wait3A_284] : memref<4x256x64xf32, #tpu.memory_space<vmem>> -> memref<1x256x64xf32, #tpu.memory_space<vmem>>
      %dma_wait3A_286 = tpu.memref_squeeze %dma_wait3A_285 : memref<1x256x64xf32, #tpu.memory_space<vmem>> -> memref<256x64xf32, #tpu.memory_space<vmem>>
      %dma_wait3A_287 = tpu.memref_slice %arg5[%select_n3A_263, %mul3A_281] : memref<50x512xi32, #tpu.memory_space<vmem>> -> memref<1x256xi32, #tpu.memory_space<vmem>>
      %dma_wait3A_288 = tpu.memref_squeeze %dma_wait3A_287 : memref<1x256xi32, #tpu.memory_space<vmem>> -> memref<256xi32, #tpu.memory_space<vmem>>
      %dma_wait3A_289 = arith.constant 0 : i32
      %dma_wait3A_290 = arith.constant 0 : i32
      %dma_wait3A_291 = tpu.memref_slice %arg2[%dma_wait3A_289, %dma_wait3A_290] : memref<1000000x64xf32, #tpu.memory_space<hbm>> -> memref<1000000x64xf32, #tpu.memory_space<hbm>>
      tpu.wait_indirect_dma semaphore(%arg8 : memref<!tpu.dma_semaphore, #tpu.memory_space<semaphore_mem>>) src(%dma_wait3A_291 : memref<1000000x64xf32, #tpu.memory_space<hbm>>) dst(%dma_wait3A_286 : memref<256x64xf32, #tpu.memory_space<vmem>>)
      %jit3A_292 = arith.constant 2 : i32
      %div3A_293 = arith.divsi %add3A_239, %jit3A_292 : i32
      %sign3A_294 = arith.constant 0 : i32
      %sign3A_295 = arith.cmpi sgt, %add3A_239, %sign3A_294 : i32
      %sign3A_296 = arith.extui %sign3A_295 : i1 to i32
      %sign3A_297 = arith.constant 0 : i32
      %sign3A_298 = arith.cmpi slt, %add3A_239, %sign3A_297 : i32
      %sign3A_299 = arith.extui %sign3A_298 : i1 to i32
      %sign3A_300 = arith.subi %sign3A_296, %sign3A_299 : i32
      %sign3A_301 = arith.constant 0 : i32
      %sign3A_302 = arith.cmpi sgt, %jit3A_292, %sign3A_301 : i32
      %sign3A_303 = arith.extui %sign3A_302 : i1 to i32
      %sign3A_304 = arith.constant 0 : i32
      %sign3A_305 = arith.cmpi slt, %jit3A_292, %sign3A_304 : i32
      %sign3A_306 = arith.extui %sign3A_305 : i1 to i32
      %sign3A_307 = arith.subi %sign3A_303, %sign3A_306 : i32
      %ne3A_308 = arith.cmpi ne, %sign3A_300, %sign3A_307 : i32
      %rem3A_309 = arith.remsi %add3A_239, %jit3A_292 : i32
      %ne3A_310 = arith.constant 0 : i32
      %ne3A_311 = arith.cmpi ne, %rem3A_309, %ne3A_310 : i32
      %and3A_312 = arith.andi %ne3A_308, %ne3A_311 : i1
      %sub3A_313 = arith.constant 1 : i32
      %sub3A_314 = arith.subi %div3A_293, %sub3A_313 : i32
      %select_n3A_315 = arith.select %and3A_312, %sub3A_314, %div3A_293 : i32
      %jit3A_316 = arith.constant 2 : i32
      %eq3A_317 = arith.constant 0 : i32
      %eq3A_318 = arith.cmpi eq, %jit3A_316, %eq3A_317 : i32
      %jit3A_319 = arith.constant 1 : i32
      %select_n3A_320 = arith.select %eq3A_318, %jit3A_319, %jit3A_316 : i32
      %rem3A_321 = arith.remsi %add3A_239, %select_n3A_320 : i32
      %ne3A_322 = arith.constant 0 : i32
      %ne3A_323 = arith.cmpi ne, %rem3A_321, %ne3A_322 : i32
      %lt3A_324 = arith.constant 0 : i32
      %lt3A_325 = arith.cmpi slt, %rem3A_321, %lt3A_324 : i32
      %lt3A_326 = arith.constant 0 : i32
      %lt3A_327 = arith.cmpi slt, %select_n3A_320, %lt3A_326 : i32
      %ne3A_328 = arith.xori %lt3A_325, %lt3A_327 : i1
      %and3A_329 = arith.andi %ne3A_328, %ne3A_323 : i1
      %add3A_330 = arith.addi %rem3A_321, %select_n3A_320 : i32
      %select_n3A_331 = arith.select %and3A_329, %add3A_330, %rem3A_321 : i32
      %mul3A_332 = arith.constant 256 : i32
      %mul3A_333 = arith.muli %select_n3A_331, %mul3A_332 : i32
      %add3A_334 = arith.addi %mul3A_2, %mul3A_333 : i32
      %dma_start3A_335 = arith.constant 1 : i32
      %dma_start3A_336 = arith.constant 0 : i32
      %dma_start3A_337 = arith.constant 0 : i32
      %dma_start3A_338 = tpu.memref_slice %arg6[%dma_start3A_335, %dma_start3A_336, %dma_start3A_337] : memref<4x256x64xf32, #tpu.memory_space<vmem>> -> memref<1x256x64xf32, #tpu.memory_space<vmem>>
      %dma_start3A_339 = tpu.memref_squeeze %dma_start3A_338 : memref<1x256x64xf32, #tpu.memory_space<vmem>> -> memref<256x64xf32, #tpu.memory_space<vmem>>
      %dma_start3A_340 = arith.constant 0 : i32
      %dma_start3A_341 = tpu.memref_slice %arg4[%select_n3A_315, %add3A_334, %dma_start3A_340] : memref<50x16384x64xf32, #tpu.memory_space<hbm>> -> memref<1x256x64xf32, #tpu.memory_space<hbm>>
      %dma_start3A_342 = tpu.memref_squeeze %dma_start3A_341 : memref<1x256x64xf32, #tpu.memory_space<hbm>> -> memref<256x64xf32, #tpu.memory_space<hbm>>
      %dma_start3A_343 = arith.constant 0 : i32
      %dma_start3A_344 = tpu.memref_slice %arg4[%select_n3A_315, %add3A_334, %dma_start3A_343] : memref<50x16384x64xf32, #tpu.memory_space<hbm>> -> memref<1x256x64xf32, #tpu.memory_space<hbm>>
      %dma_start3A_345 = tpu.memref_squeeze %dma_start3A_344 : memref<1x256x64xf32, #tpu.memory_space<hbm>> -> memref<256x64xf32, #tpu.memory_space<hbm>>
      %dma_start3A_346 = arith.constant 0 : i32
      %dma_start3A_347 = arith.constant 0 : i32
      %dma_start3A_348 = tpu.memref_slice %arg6[%dma_start3A_335, %dma_start3A_346, %dma_start3A_347] : memref<4x256x64xf32, #tpu.memory_space<vmem>> -> memref<1x256x64xf32, #tpu.memory_space<vmem>>
      %dma_start3A_349 = tpu.memref_squeeze %dma_start3A_348 : memref<1x256x64xf32, #tpu.memory_space<vmem>> -> memref<256x64xf32, #tpu.memory_space<vmem>>
      tpu.enqueue_dma source(%dma_start3A_349 : memref<256x64xf32, #tpu.memory_space<vmem>>) target(%dma_start3A_345 : memref<256x64xf32, #tpu.memory_space<hbm>>) target_semaphore(%arg12 : memref<!tpu.dma_semaphore, #tpu.memory_space<semaphore_mem>>)
      %add3A_350 = arith.constant 4 : i32
      %add3A_351 = arith.addi %add3A_239, %add3A_350 : i32
      %lt3A_352 = arith.constant 100 : i32
      %lt3A_353 = arith.cmpi slt, %add3A_351, %lt3A_352 : i32
      %convert_element_type3A_354 = arith.extui %lt3A_353 : i1 to i32
      %cond3A_355 = arith.constant 0 : i32
      %cond3A_356 = arith.cmpi ne, %convert_element_type3A_354, %cond3A_355 : i32
      scf.if %cond3A_356 {
        %jit3A_599 = arith.constant 2 : i32
        %div3A_600 = arith.divsi %add3A_239, %jit3A_599 : i32
        %sign3A_601 = arith.constant 0 : i32
        %sign3A_602 = arith.cmpi sgt, %add3A_239, %sign3A_601 : i32
        %sign3A_603 = arith.extui %sign3A_602 : i1 to i32
        %sign3A_604 = arith.constant 0 : i32
        %sign3A_605 = arith.cmpi slt, %add3A_239, %sign3A_604 : i32
        %sign3A_606 = arith.extui %sign3A_605 : i1 to i32
        %sign3A_607 = arith.subi %sign3A_603, %sign3A_606 : i32
        %sign3A_608 = arith.constant 0 : i32
        %sign3A_609 = arith.cmpi sgt, %jit3A_599, %sign3A_608 : i32
        %sign3A_610 = arith.extui %sign3A_609 : i1 to i32
        %sign3A_611 = arith.constant 0 : i32
        %sign3A_612 = arith.cmpi slt, %jit3A_599, %sign3A_611 : i32
        %sign3A_613 = arith.extui %sign3A_612 : i1 to i32
        %sign3A_614 = arith.subi %sign3A_610, %sign3A_613 : i32
        %ne3A_615 = arith.cmpi ne, %sign3A_607, %sign3A_614 : i32
        %rem3A_616 = arith.remsi %add3A_239, %jit3A_599 : i32
        %ne3A_617 = arith.constant 0 : i32
        %ne3A_618 = arith.cmpi ne, %rem3A_616, %ne3A_617 : i32
        %and3A_619 = arith.andi %ne3A_615, %ne3A_618 : i1
        %sub3A_620 = arith.constant 1 : i32
        %sub3A_621 = arith.subi %div3A_600, %sub3A_620 : i32
        %select_n3A_622 = arith.select %and3A_619, %sub3A_621, %div3A_600 : i32
        %jit3A_623 = arith.constant 2 : i32
        %eq3A_624 = arith.constant 0 : i32
        %eq3A_625 = arith.cmpi eq, %jit3A_623, %eq3A_624 : i32
        %jit3A_626 = arith.constant 1 : i32
        %select_n3A_627 = arith.select %eq3A_625, %jit3A_626, %jit3A_623 : i32
        %rem3A_628 = arith.remsi %add3A_239, %select_n3A_627 : i32
        %ne3A_629 = arith.constant 0 : i32
        %ne3A_630 = arith.cmpi ne, %rem3A_628, %ne3A_629 : i32
        %lt3A_631 = arith.constant 0 : i32
        %lt3A_632 = arith.cmpi slt, %rem3A_628, %lt3A_631 : i32
        %lt3A_633 = arith.constant 0 : i32
        %lt3A_634 = arith.cmpi slt, %select_n3A_627, %lt3A_633 : i32
        %ne3A_635 = arith.xori %lt3A_632, %lt3A_634 : i1
        %and3A_636 = arith.andi %ne3A_635, %ne3A_630 : i1
        %add3A_637 = arith.addi %rem3A_628, %select_n3A_627 : i32
        %select_n3A_638 = arith.select %and3A_636, %add3A_637, %rem3A_628 : i32
        %mul3A_639 = arith.constant 256 : i32
        %mul3A_640 = arith.muli %select_n3A_638, %mul3A_639 : i32
        %add3A_641 = arith.addi %mul3A_2, %mul3A_640 : i32
        %dma_wait3A_642 = arith.constant 1 : i32
        %dma_wait3A_643 = arith.constant 0 : i32
        %dma_wait3A_644 = arith.constant 0 : i32
        %dma_wait3A_645 = tpu.memref_slice %arg6[%dma_wait3A_642, %dma_wait3A_643, %dma_wait3A_644] : memref<4x256x64xf32, #tpu.memory_space<vmem>> -> memref<1x256x64xf32, #tpu.memory_space<vmem>>
        %dma_wait3A_646 = tpu.memref_squeeze %dma_wait3A_645 : memref<1x256x64xf32, #tpu.memory_space<vmem>> -> memref<256x64xf32, #tpu.memory_space<vmem>>
        %dma_wait3A_647 = arith.constant 0 : i32
        %dma_wait3A_648 = tpu.memref_slice %arg4[%select_n3A_622, %add3A_641, %dma_wait3A_647] : memref<50x16384x64xf32, #tpu.memory_space<hbm>> -> memref<1x256x64xf32, #tpu.memory_space<hbm>>
        %dma_wait3A_649 = tpu.memref_squeeze %dma_wait3A_648 : memref<1x256x64xf32, #tpu.memory_space<hbm>> -> memref<256x64xf32, #tpu.memory_space<hbm>>
        %dma_wait3A_650 = arith.constant 0 : i32
        %dma_wait3A_651 = tpu.memref_slice %arg4[%select_n3A_622, %add3A_641, %dma_wait3A_650] : memref<50x16384x64xf32, #tpu.memory_space<hbm>> -> memref<1x256x64xf32, #tpu.memory_space<hbm>>
        %dma_wait3A_652 = tpu.memref_squeeze %dma_wait3A_651 : memref<1x256x64xf32, #tpu.memory_space<hbm>> -> memref<256x64xf32, #tpu.memory_space<hbm>>
        %dma_wait3A_653 = arith.constant 0 : i32
        %dma_wait3A_654 = arith.constant 0 : i32
        %dma_wait3A_655 = tpu.memref_slice %arg6[%dma_wait3A_642, %dma_wait3A_653, %dma_wait3A_654] : memref<4x256x64xf32, #tpu.memory_space<vmem>> -> memref<1x256x64xf32, #tpu.memory_space<vmem>>
        %dma_wait3A_656 = tpu.memref_squeeze %dma_wait3A_655 : memref<1x256x64xf32, #tpu.memory_space<vmem>> -> memref<256x64xf32, #tpu.memory_space<vmem>>
        tpu.wait_dma2 semaphore(%arg12 : memref<!tpu.dma_semaphore, #tpu.memory_space<semaphore_mem>>) src(%dma_wait3A_656 : memref<256x64xf32, #tpu.memory_space<vmem>>) dst(%dma_wait3A_652 : memref<256x64xf32, #tpu.memory_space<hbm>>)
        %add3A_657 = arith.constant 4 : i32
        %add3A_658 = arith.addi %add3A_239, %add3A_657 : i32
        %jit3A_659 = arith.constant 2 : i32
        %div3A_660 = arith.divsi %add3A_658, %jit3A_659 : i32
        %sign3A_661 = arith.constant 0 : i32
        %sign3A_662 = arith.cmpi sgt, %add3A_658, %sign3A_661 : i32
        %sign3A_663 = arith.extui %sign3A_662 : i1 to i32
        %sign3A_664 = arith.constant 0 : i32
        %sign3A_665 = arith.cmpi slt, %add3A_658, %sign3A_664 : i32
        %sign3A_666 = arith.extui %sign3A_665 : i1 to i32
        %sign3A_667 = arith.subi %sign3A_663, %sign3A_666 : i32
        %sign3A_668 = arith.constant 0 : i32
        %sign3A_669 = arith.cmpi sgt, %jit3A_659, %sign3A_668 : i32
        %sign3A_670 = arith.extui %sign3A_669 : i1 to i32
        %sign3A_671 = arith.constant 0 : i32
        %sign3A_672 = arith.cmpi slt, %jit3A_659, %sign3A_671 : i32
        %sign3A_673 = arith.extui %sign3A_672 : i1 to i32
        %sign3A_674 = arith.subi %sign3A_670, %sign3A_673 : i32
        %ne3A_675 = arith.cmpi ne, %sign3A_667, %sign3A_674 : i32
        %rem3A_676 = arith.remsi %add3A_658, %jit3A_659 : i32
        %ne3A_677 = arith.constant 0 : i32
        %ne3A_678 = arith.cmpi ne, %rem3A_676, %ne3A_677 : i32
        %and3A_679 = arith.andi %ne3A_675, %ne3A_678 : i1
        %sub3A_680 = arith.constant 1 : i32
        %sub3A_681 = arith.subi %div3A_660, %sub3A_680 : i32
        %select_n3A_682 = arith.select %and3A_679, %sub3A_681, %div3A_660 : i32
        %jit3A_683 = arith.constant 2 : i32
        %eq3A_684 = arith.constant 0 : i32
        %eq3A_685 = arith.cmpi eq, %jit3A_683, %eq3A_684 : i32
        %jit3A_686 = arith.constant 1 : i32
        %select_n3A_687 = arith.select %eq3A_685, %jit3A_686, %jit3A_683 : i32
        %rem3A_688 = arith.remsi %add3A_658, %select_n3A_687 : i32
        %ne3A_689 = arith.constant 0 : i32
        %ne3A_690 = arith.cmpi ne, %rem3A_688, %ne3A_689 : i32
        %lt3A_691 = arith.constant 0 : i32
        %lt3A_692 = arith.cmpi slt, %rem3A_688, %lt3A_691 : i32
        %lt3A_693 = arith.constant 0 : i32
        %lt3A_694 = arith.cmpi slt, %select_n3A_687, %lt3A_693 : i32
        %ne3A_695 = arith.xori %lt3A_692, %lt3A_694 : i1
        %and3A_696 = arith.andi %ne3A_695, %ne3A_690 : i1
        %add3A_697 = arith.addi %rem3A_688, %select_n3A_687 : i32
        %select_n3A_698 = arith.select %and3A_696, %add3A_697, %rem3A_688 : i32
        %mul3A_699 = arith.constant 256 : i32
        %mul3A_700 = arith.muli %select_n3A_698, %mul3A_699 : i32
        %dma_start3A_701 = arith.constant 1 : i32
        %dma_start3A_702 = arith.constant 0 : i32
        %dma_start3A_703 = arith.constant 0 : i32
        %dma_start3A_704 = tpu.memref_slice %arg6[%dma_start3A_701, %dma_start3A_702, %dma_start3A_703] : memref<4x256x64xf32, #tpu.memory_space<vmem>> -> memref<1x256x64xf32, #tpu.memory_space<vmem>>
        %dma_start3A_705 = tpu.memref_squeeze %dma_start3A_704 : memref<1x256x64xf32, #tpu.memory_space<vmem>> -> memref<256x64xf32, #tpu.memory_space<vmem>>
        %dma_start3A_706 = tpu.memref_slice %arg5[%select_n3A_682, %mul3A_700] : memref<50x512xi32, #tpu.memory_space<vmem>> -> memref<1x256xi32, #tpu.memory_space<vmem>>
        %dma_start3A_707 = tpu.memref_squeeze %dma_start3A_706 : memref<1x256xi32, #tpu.memory_space<vmem>> -> memref<256xi32, #tpu.memory_space<vmem>>
        %dma_start3A_708 = arith.constant 0 : i32
        %dma_start3A_709 = arith.constant 0 : i32
        %dma_start3A_710 = tpu.memref_slice %arg2[%dma_start3A_708, %dma_start3A_709] : memref<1000000x64xf32, #tpu.memory_space<hbm>> -> memref<1000000x64xf32, #tpu.memory_space<hbm>>
        tpu.enqueue_indirect_dma source(%dma_start3A_710 : memref<1000000x64xf32, #tpu.memory_space<hbm>>) target(%dma_start3A_705 : memref<256x64xf32, #tpu.memory_space<vmem>>) offsets(%dma_start3A_707 : memref<256xi32, #tpu.memory_space<vmem>>) semaphore(%arg8 : memref<!tpu.dma_semaphore, #tpu.memory_space<semaphore_mem>>)
      } else {
      }
      %mul3A_357 = arith.constant 4 : i32
      %mul3A_358 = arith.muli %scan3A_126, %mul3A_357 : i32
      %add3A_359 = arith.constant 2 : i32
      %add3A_360 = arith.addi %mul3A_358, %add3A_359 : i32
      %jit3A_361 = arith.constant 2 : i32
      %div3A_362 = arith.divsi %add3A_360, %jit3A_361 : i32
      %sign3A_363 = arith.constant 0 : i32
      %sign3A_364 = arith.cmpi sgt, %add3A_360, %sign3A_363 : i32
      %sign3A_365 = arith.extui %sign3A_364 : i1 to i32
      %sign3A_366 = arith.constant 0 : i32
      %sign3A_367 = arith.cmpi slt, %add3A_360, %sign3A_366 : i32
      %sign3A_368 = arith.extui %sign3A_367 : i1 to i32
      %sign3A_369 = arith.subi %sign3A_365, %sign3A_368 : i32
      %sign3A_370 = arith.constant 0 : i32
      %sign3A_371 = arith.cmpi sgt, %jit3A_361, %sign3A_370 : i32
      %sign3A_372 = arith.extui %sign3A_371 : i1 to i32
      %sign3A_373 = arith.constant 0 : i32
      %sign3A_374 = arith.cmpi slt, %jit3A_361, %sign3A_373 : i32
      %sign3A_375 = arith.extui %sign3A_374 : i1 to i32
      %sign3A_376 = arith.subi %sign3A_372, %sign3A_375 : i32
      %ne3A_377 = arith.cmpi ne, %sign3A_369, %sign3A_376 : i32
      %rem3A_378 = arith.remsi %add3A_360, %jit3A_361 : i32
      %ne3A_379 = arith.constant 0 : i32
      %ne3A_380 = arith.cmpi ne, %rem3A_378, %ne3A_379 : i32
      %and3A_381 = arith.andi %ne3A_377, %ne3A_380 : i1
      %sub3A_382 = arith.constant 1 : i32
      %sub3A_383 = arith.subi %div3A_362, %sub3A_382 : i32
      %select_n3A_384 = arith.select %and3A_381, %sub3A_383, %div3A_362 : i32
      %jit3A_385 = arith.constant 2 : i32
      %eq3A_386 = arith.constant 0 : i32
      %eq3A_387 = arith.cmpi eq, %jit3A_385, %eq3A_386 : i32
      %jit3A_388 = arith.constant 1 : i32
      %select_n3A_389 = arith.select %eq3A_387, %jit3A_388, %jit3A_385 : i32
      %rem3A_390 = arith.remsi %add3A_360, %select_n3A_389 : i32
      %ne3A_391 = arith.constant 0 : i32
      %ne3A_392 = arith.cmpi ne, %rem3A_390, %ne3A_391 : i32
      %lt3A_393 = arith.constant 0 : i32
      %lt3A_394 = arith.cmpi slt, %rem3A_390, %lt3A_393 : i32
      %lt3A_395 = arith.constant 0 : i32
      %lt3A_396 = arith.cmpi slt, %select_n3A_389, %lt3A_395 : i32
      %ne3A_397 = arith.xori %lt3A_394, %lt3A_396 : i1
      %and3A_398 = arith.andi %ne3A_397, %ne3A_392 : i1
      %add3A_399 = arith.addi %rem3A_390, %select_n3A_389 : i32
      %select_n3A_400 = arith.select %and3A_398, %add3A_399, %rem3A_390 : i32
      %mul3A_401 = arith.constant 256 : i32
      %mul3A_402 = arith.muli %select_n3A_400, %mul3A_401 : i32
      %dma_wait3A_403 = arith.constant 2 : i32
      %dma_wait3A_404 = arith.constant 0 : i32
      %dma_wait3A_405 = arith.constant 0 : i32
      %dma_wait3A_406 = tpu.memref_slice %arg6[%dma_wait3A_403, %dma_wait3A_404, %dma_wait3A_405] : memref<4x256x64xf32, #tpu.memory_space<vmem>> -> memref<1x256x64xf32, #tpu.memory_space<vmem>>
      %dma_wait3A_407 = tpu.memref_squeeze %dma_wait3A_406 : memref<1x256x64xf32, #tpu.memory_space<vmem>> -> memref<256x64xf32, #tpu.memory_space<vmem>>
      %dma_wait3A_408 = tpu.memref_slice %arg5[%select_n3A_384, %mul3A_402] : memref<50x512xi32, #tpu.memory_space<vmem>> -> memref<1x256xi32, #tpu.memory_space<vmem>>
      %dma_wait3A_409 = tpu.memref_squeeze %dma_wait3A_408 : memref<1x256xi32, #tpu.memory_space<vmem>> -> memref<256xi32, #tpu.memory_space<vmem>>
      %dma_wait3A_410 = arith.constant 0 : i32
      %dma_wait3A_411 = arith.constant 0 : i32
      %dma_wait3A_412 = tpu.memref_slice %arg2[%dma_wait3A_410, %dma_wait3A_411] : memref<1000000x64xf32, #tpu.memory_space<hbm>> -> memref<1000000x64xf32, #tpu.memory_space<hbm>>
      tpu.wait_indirect_dma semaphore(%arg9 : memref<!tpu.dma_semaphore, #tpu.memory_space<semaphore_mem>>) src(%dma_wait3A_412 : memref<1000000x64xf32, #tpu.memory_space<hbm>>) dst(%dma_wait3A_407 : memref<256x64xf32, #tpu.memory_space<vmem>>)
      %jit3A_413 = arith.constant 2 : i32
      %div3A_414 = arith.divsi %add3A_360, %jit3A_413 : i32
      %sign3A_415 = arith.constant 0 : i32
      %sign3A_416 = arith.cmpi sgt, %add3A_360, %sign3A_415 : i32
      %sign3A_417 = arith.extui %sign3A_416 : i1 to i32
      %sign3A_418 = arith.constant 0 : i32
      %sign3A_419 = arith.cmpi slt, %add3A_360, %sign3A_418 : i32
      %sign3A_420 = arith.extui %sign3A_419 : i1 to i32
      %sign3A_421 = arith.subi %sign3A_417, %sign3A_420 : i32
      %sign3A_422 = arith.constant 0 : i32
      %sign3A_423 = arith.cmpi sgt, %jit3A_413, %sign3A_422 : i32
      %sign3A_424 = arith.extui %sign3A_423 : i1 to i32
      %sign3A_425 = arith.constant 0 : i32
      %sign3A_426 = arith.cmpi slt, %jit3A_413, %sign3A_425 : i32
      %sign3A_427 = arith.extui %sign3A_426 : i1 to i32
      %sign3A_428 = arith.subi %sign3A_424, %sign3A_427 : i32
      %ne3A_429 = arith.cmpi ne, %sign3A_421, %sign3A_428 : i32
      %rem3A_430 = arith.remsi %add3A_360, %jit3A_413 : i32
      %ne3A_431 = arith.constant 0 : i32
      %ne3A_432 = arith.cmpi ne, %rem3A_430, %ne3A_431 : i32
      %and3A_433 = arith.andi %ne3A_429, %ne3A_432 : i1
      %sub3A_434 = arith.constant 1 : i32
      %sub3A_435 = arith.subi %div3A_414, %sub3A_434 : i32
      %select_n3A_436 = arith.select %and3A_433, %sub3A_435, %div3A_414 : i32
      %jit3A_437 = arith.constant 2 : i32
      %eq3A_438 = arith.constant 0 : i32
      %eq3A_439 = arith.cmpi eq, %jit3A_437, %eq3A_438 : i32
      %jit3A_440 = arith.constant 1 : i32
      %select_n3A_441 = arith.select %eq3A_439, %jit3A_440, %jit3A_437 : i32
      %rem3A_442 = arith.remsi %add3A_360, %select_n3A_441 : i32
      %ne3A_443 = arith.constant 0 : i32
      %ne3A_444 = arith.cmpi ne, %rem3A_442, %ne3A_443 : i32
      %lt3A_445 = arith.constant 0 : i32
      %lt3A_446 = arith.cmpi slt, %rem3A_442, %lt3A_445 : i32
      %lt3A_447 = arith.constant 0 : i32
      %lt3A_448 = arith.cmpi slt, %select_n3A_441, %lt3A_447 : i32
      %ne3A_449 = arith.xori %lt3A_446, %lt3A_448 : i1
      %and3A_450 = arith.andi %ne3A_449, %ne3A_444 : i1
      %add3A_451 = arith.addi %rem3A_442, %select_n3A_441 : i32
      %select_n3A_452 = arith.select %and3A_450, %add3A_451, %rem3A_442 : i32
      %mul3A_453 = arith.constant 256 : i32
      %mul3A_454 = arith.muli %select_n3A_452, %mul3A_453 : i32
      %add3A_455 = arith.addi %mul3A_2, %mul3A_454 : i32
      %dma_start3A_456 = arith.constant 2 : i32
      %dma_start3A_457 = arith.constant 0 : i32
      %dma_start3A_458 = arith.constant 0 : i32
      %dma_start3A_459 = tpu.memref_slice %arg6[%dma_start3A_456, %dma_start3A_457, %dma_start3A_458] : memref<4x256x64xf32, #tpu.memory_space<vmem>> -> memref<1x256x64xf32, #tpu.memory_space<vmem>>
      %dma_start3A_460 = tpu.memref_squeeze %dma_start3A_459 : memref<1x256x64xf32, #tpu.memory_space<vmem>> -> memref<256x64xf32, #tpu.memory_space<vmem>>
      %dma_start3A_461 = arith.constant 0 : i32
      %dma_start3A_462 = tpu.memref_slice %arg4[%select_n3A_436, %add3A_455, %dma_start3A_461] : memref<50x16384x64xf32, #tpu.memory_space<hbm>> -> memref<1x256x64xf32, #tpu.memory_space<hbm>>
      %dma_start3A_463 = tpu.memref_squeeze %dma_start3A_462 : memref<1x256x64xf32, #tpu.memory_space<hbm>> -> memref<256x64xf32, #tpu.memory_space<hbm>>
      %dma_start3A_464 = arith.constant 0 : i32
      %dma_start3A_465 = tpu.memref_slice %arg4[%select_n3A_436, %add3A_455, %dma_start3A_464] : memref<50x16384x64xf32, #tpu.memory_space<hbm>> -> memref<1x256x64xf32, #tpu.memory_space<hbm>>
      %dma_start3A_466 = tpu.memref_squeeze %dma_start3A_465 : memref<1x256x64xf32, #tpu.memory_space<hbm>> -> memref<256x64xf32, #tpu.memory_space<hbm>>
      %dma_start3A_467 = arith.constant 0 : i32
      %dma_start3A_468 = arith.constant 0 : i32
      %dma_start3A_469 = tpu.memref_slice %arg6[%dma_start3A_456, %dma_start3A_467, %dma_start3A_468] : memref<4x256x64xf32, #tpu.memory_space<vmem>> -> memref<1x256x64xf32, #tpu.memory_space<vmem>>
      %dma_start3A_470 = tpu.memref_squeeze %dma_start3A_469 : memref<1x256x64xf32, #tpu.memory_space<vmem>> -> memref<256x64xf32, #tpu.memory_space<vmem>>
      tpu.enqueue_dma source(%dma_start3A_470 : memref<256x64xf32, #tpu.memory_space<vmem>>) target(%dma_start3A_466 : memref<256x64xf32, #tpu.memory_space<hbm>>) target_semaphore(%arg13 : memref<!tpu.dma_semaphore, #tpu.memory_space<semaphore_mem>>)
      %add3A_471 = arith.constant 4 : i32
      %add3A_472 = arith.addi %add3A_360, %add3A_471 : i32
      %lt3A_473 = arith.constant 100 : i32
      %lt3A_474 = arith.cmpi slt, %add3A_472, %lt3A_473 : i32
      %convert_element_type3A_475 = arith.extui %lt3A_474 : i1 to i32
      %cond3A_476 = arith.constant 0 : i32
      %cond3A_477 = arith.cmpi ne, %convert_element_type3A_475, %cond3A_476 : i32
      scf.if %cond3A_477 {
        %jit3A_599 = arith.constant 2 : i32
        %div3A_600 = arith.divsi %add3A_360, %jit3A_599 : i32
        %sign3A_601 = arith.constant 0 : i32
        %sign3A_602 = arith.cmpi sgt, %add3A_360, %sign3A_601 : i32
        %sign3A_603 = arith.extui %sign3A_602 : i1 to i32
        %sign3A_604 = arith.constant 0 : i32
        %sign3A_605 = arith.cmpi slt, %add3A_360, %sign3A_604 : i32
        %sign3A_606 = arith.extui %sign3A_605 : i1 to i32
        %sign3A_607 = arith.subi %sign3A_603, %sign3A_606 : i32
        %sign3A_608 = arith.constant 0 : i32
        %sign3A_609 = arith.cmpi sgt, %jit3A_599, %sign3A_608 : i32
        %sign3A_610 = arith.extui %sign3A_609 : i1 to i32
        %sign3A_611 = arith.constant 0 : i32
        %sign3A_612 = arith.cmpi slt, %jit3A_599, %sign3A_611 : i32
        %sign3A_613 = arith.extui %sign3A_612 : i1 to i32
        %sign3A_614 = arith.subi %sign3A_610, %sign3A_613 : i32
        %ne3A_615 = arith.cmpi ne, %sign3A_607, %sign3A_614 : i32
        %rem3A_616 = arith.remsi %add3A_360, %jit3A_599 : i32
        %ne3A_617 = arith.constant 0 : i32
        %ne3A_618 = arith.cmpi ne, %rem3A_616, %ne3A_617 : i32
        %and3A_619 = arith.andi %ne3A_615, %ne3A_618 : i1
        %sub3A_620 = arith.constant 1 : i32
        %sub3A_621 = arith.subi %div3A_600, %sub3A_620 : i32
        %select_n3A_622 = arith.select %and3A_619, %sub3A_621, %div3A_600 : i32
        %jit3A_623 = arith.constant 2 : i32
        %eq3A_624 = arith.constant 0 : i32
        %eq3A_625 = arith.cmpi eq, %jit3A_623, %eq3A_624 : i32
        %jit3A_626 = arith.constant 1 : i32
        %select_n3A_627 = arith.select %eq3A_625, %jit3A_626, %jit3A_623 : i32
        %rem3A_628 = arith.remsi %add3A_360, %select_n3A_627 : i32
        %ne3A_629 = arith.constant 0 : i32
        %ne3A_630 = arith.cmpi ne, %rem3A_628, %ne3A_629 : i32
        %lt3A_631 = arith.constant 0 : i32
        %lt3A_632 = arith.cmpi slt, %rem3A_628, %lt3A_631 : i32
        %lt3A_633 = arith.constant 0 : i32
        %lt3A_634 = arith.cmpi slt, %select_n3A_627, %lt3A_633 : i32
        %ne3A_635 = arith.xori %lt3A_632, %lt3A_634 : i1
        %and3A_636 = arith.andi %ne3A_635, %ne3A_630 : i1
        %add3A_637 = arith.addi %rem3A_628, %select_n3A_627 : i32
        %select_n3A_638 = arith.select %and3A_636, %add3A_637, %rem3A_628 : i32
        %mul3A_639 = arith.constant 256 : i32
        %mul3A_640 = arith.muli %select_n3A_638, %mul3A_639 : i32
        %add3A_641 = arith.addi %mul3A_2, %mul3A_640 : i32
        %dma_wait3A_642 = arith.constant 2 : i32
        %dma_wait3A_643 = arith.constant 0 : i32
        %dma_wait3A_644 = arith.constant 0 : i32
        %dma_wait3A_645 = tpu.memref_slice %arg6[%dma_wait3A_642, %dma_wait3A_643, %dma_wait3A_644] : memref<4x256x64xf32, #tpu.memory_space<vmem>> -> memref<1x256x64xf32, #tpu.memory_space<vmem>>
        %dma_wait3A_646 = tpu.memref_squeeze %dma_wait3A_645 : memref<1x256x64xf32, #tpu.memory_space<vmem>> -> memref<256x64xf32, #tpu.memory_space<vmem>>
        %dma_wait3A_647 = arith.constant 0 : i32
        %dma_wait3A_648 = tpu.memref_slice %arg4[%select_n3A_622, %add3A_641, %dma_wait3A_647] : memref<50x16384x64xf32, #tpu.memory_space<hbm>> -> memref<1x256x64xf32, #tpu.memory_space<hbm>>
        %dma_wait3A_649 = tpu.memref_squeeze %dma_wait3A_648 : memref<1x256x64xf32, #tpu.memory_space<hbm>> -> memref<256x64xf32, #tpu.memory_space<hbm>>
        %dma_wait3A_650 = arith.constant 0 : i32
        %dma_wait3A_651 = tpu.memref_slice %arg4[%select_n3A_622, %add3A_641, %dma_wait3A_650] : memref<50x16384x64xf32, #tpu.memory_space<hbm>> -> memref<1x256x64xf32, #tpu.memory_space<hbm>>
        %dma_wait3A_652 = tpu.memref_squeeze %dma_wait3A_651 : memref<1x256x64xf32, #tpu.memory_space<hbm>> -> memref<256x64xf32, #tpu.memory_space<hbm>>
        %dma_wait3A_653 = arith.constant 0 : i32
        %dma_wait3A_654 = arith.constant 0 : i32
        %dma_wait3A_655 = tpu.memref_slice %arg6[%dma_wait3A_642, %dma_wait3A_653, %dma_wait3A_654] : memref<4x256x64xf32, #tpu.memory_space<vmem>> -> memref<1x256x64xf32, #tpu.memory_space<vmem>>
        %dma_wait3A_656 = tpu.memref_squeeze %dma_wait3A_655 : memref<1x256x64xf32, #tpu.memory_space<vmem>> -> memref<256x64xf32, #tpu.memory_space<vmem>>
        tpu.wait_dma2 semaphore(%arg13 : memref<!tpu.dma_semaphore, #tpu.memory_space<semaphore_mem>>) src(%dma_wait3A_656 : memref<256x64xf32, #tpu.memory_space<vmem>>) dst(%dma_wait3A_652 : memref<256x64xf32, #tpu.memory_space<hbm>>)
        %add3A_657 = arith.constant 4 : i32
        %add3A_658 = arith.addi %add3A_360, %add3A_657 : i32
        %jit3A_659 = arith.constant 2 : i32
        %div3A_660 = arith.divsi %add3A_658, %jit3A_659 : i32
        %sign3A_661 = arith.constant 0 : i32
        %sign3A_662 = arith.cmpi sgt, %add3A_658, %sign3A_661 : i32
        %sign3A_663 = arith.extui %sign3A_662 : i1 to i32
        %sign3A_664 = arith.constant 0 : i32
        %sign3A_665 = arith.cmpi slt, %add3A_658, %sign3A_664 : i32
        %sign3A_666 = arith.extui %sign3A_665 : i1 to i32
        %sign3A_667 = arith.subi %sign3A_663, %sign3A_666 : i32
        %sign3A_668 = arith.constant 0 : i32
        %sign3A_669 = arith.cmpi sgt, %jit3A_659, %sign3A_668 : i32
        %sign3A_670 = arith.extui %sign3A_669 : i1 to i32
        %sign3A_671 = arith.constant 0 : i32
        %sign3A_672 = arith.cmpi slt, %jit3A_659, %sign3A_671 : i32
        %sign3A_673 = arith.extui %sign3A_672 : i1 to i32
        %sign3A_674 = arith.subi %sign3A_670, %sign3A_673 : i32
        %ne3A_675 = arith.cmpi ne, %sign3A_667, %sign3A_674 : i32
        %rem3A_676 = arith.remsi %add3A_658, %jit3A_659 : i32
        %ne3A_677 = arith.constant 0 : i32
        %ne3A_678 = arith.cmpi ne, %rem3A_676, %ne3A_677 : i32
        %and3A_679 = arith.andi %ne3A_675, %ne3A_678 : i1
        %sub3A_680 = arith.constant 1 : i32
        %sub3A_681 = arith.subi %div3A_660, %sub3A_680 : i32
        %select_n3A_682 = arith.select %and3A_679, %sub3A_681, %div3A_660 : i32
        %jit3A_683 = arith.constant 2 : i32
        %eq3A_684 = arith.constant 0 : i32
        %eq3A_685 = arith.cmpi eq, %jit3A_683, %eq3A_684 : i32
        %jit3A_686 = arith.constant 1 : i32
        %select_n3A_687 = arith.select %eq3A_685, %jit3A_686, %jit3A_683 : i32
        %rem3A_688 = arith.remsi %add3A_658, %select_n3A_687 : i32
        %ne3A_689 = arith.constant 0 : i32
        %ne3A_690 = arith.cmpi ne, %rem3A_688, %ne3A_689 : i32
        %lt3A_691 = arith.constant 0 : i32
        %lt3A_692 = arith.cmpi slt, %rem3A_688, %lt3A_691 : i32
        %lt3A_693 = arith.constant 0 : i32
        %lt3A_694 = arith.cmpi slt, %select_n3A_687, %lt3A_693 : i32
        %ne3A_695 = arith.xori %lt3A_692, %lt3A_694 : i1
        %and3A_696 = arith.andi %ne3A_695, %ne3A_690 : i1
        %add3A_697 = arith.addi %rem3A_688, %select_n3A_687 : i32
        %select_n3A_698 = arith.select %and3A_696, %add3A_697, %rem3A_688 : i32
        %mul3A_699 = arith.constant 256 : i32
        %mul3A_700 = arith.muli %select_n3A_698, %mul3A_699 : i32
        %dma_start3A_701 = arith.constant 2 : i32
        %dma_start3A_702 = arith.constant 0 : i32
        %dma_start3A_703 = arith.constant 0 : i32
        %dma_start3A_704 = tpu.memref_slice %arg6[%dma_start3A_701, %dma_start3A_702, %dma_start3A_703] : memref<4x256x64xf32, #tpu.memory_space<vmem>> -> memref<1x256x64xf32, #tpu.memory_space<vmem>>
        %dma_start3A_705 = tpu.memref_squeeze %dma_start3A_704 : memref<1x256x64xf32, #tpu.memory_space<vmem>> -> memref<256x64xf32, #tpu.memory_space<vmem>>
        %dma_start3A_706 = tpu.memref_slice %arg5[%select_n3A_682, %mul3A_700] : memref<50x512xi32, #tpu.memory_space<vmem>> -> memref<1x256xi32, #tpu.memory_space<vmem>>
        %dma_start3A_707 = tpu.memref_squeeze %dma_start3A_706 : memref<1x256xi32, #tpu.memory_space<vmem>> -> memref<256xi32, #tpu.memory_space<vmem>>
        %dma_start3A_708 = arith.constant 0 : i32
        %dma_start3A_709 = arith.constant 0 : i32
        %dma_start3A_710 = tpu.memref_slice %arg2[%dma_start3A_708, %dma_start3A_709] : memref<1000000x64xf32, #tpu.memory_space<hbm>> -> memref<1000000x64xf32, #tpu.memory_space<hbm>>
        tpu.enqueue_indirect_dma source(%dma_start3A_710 : memref<1000000x64xf32, #tpu.memory_space<hbm>>) target(%dma_start3A_705 : memref<256x64xf32, #tpu.memory_space<vmem>>) offsets(%dma_start3A_707 : memref<256xi32, #tpu.memory_space<vmem>>) semaphore(%arg9 : memref<!tpu.dma_semaphore, #tpu.memory_space<semaphore_mem>>)
      } else {
      }
      %mul3A_478 = arith.constant 4 : i32
      %mul3A_479 = arith.muli %scan3A_126, %mul3A_478 : i32
      %add3A_480 = arith.constant 3 : i32
      %add3A_481 = arith.addi %mul3A_479, %add3A_480 : i32
      %jit3A_482 = arith.constant 2 : i32
      %div3A_483 = arith.divsi %add3A_481, %jit3A_482 : i32
      %sign3A_484 = arith.constant 0 : i32
      %sign3A_485 = arith.cmpi sgt, %add3A_481, %sign3A_484 : i32
      %sign3A_486 = arith.extui %sign3A_485 : i1 to i32
      %sign3A_487 = arith.constant 0 : i32
      %sign3A_488 = arith.cmpi slt, %add3A_481, %sign3A_487 : i32
      %sign3A_489 = arith.extui %sign3A_488 : i1 to i32
      %sign3A_490 = arith.subi %sign3A_486, %sign3A_489 : i32
      %sign3A_491 = arith.constant 0 : i32
      %sign3A_492 = arith.cmpi sgt, %jit3A_482, %sign3A_491 : i32
      %sign3A_493 = arith.extui %sign3A_492 : i1 to i32
      %sign3A_494 = arith.constant 0 : i32
      %sign3A_495 = arith.cmpi slt, %jit3A_482, %sign3A_494 : i32
      %sign3A_496 = arith.extui %sign3A_495 : i1 to i32
      %sign3A_497 = arith.subi %sign3A_493, %sign3A_496 : i32
      %ne3A_498 = arith.cmpi ne, %sign3A_490, %sign3A_497 : i32
      %rem3A_499 = arith.remsi %add3A_481, %jit3A_482 : i32
      %ne3A_500 = arith.constant 0 : i32
      %ne3A_501 = arith.cmpi ne, %rem3A_499, %ne3A_500 : i32
      %and3A_502 = arith.andi %ne3A_498, %ne3A_501 : i1
      %sub3A_503 = arith.constant 1 : i32
      %sub3A_504 = arith.subi %div3A_483, %sub3A_503 : i32
      %select_n3A_505 = arith.select %and3A_502, %sub3A_504, %div3A_483 : i32
      %jit3A_506 = arith.constant 2 : i32
      %eq3A_507 = arith.constant 0 : i32
      %eq3A_508 = arith.cmpi eq, %jit3A_506, %eq3A_507 : i32
      %jit3A_509 = arith.constant 1 : i32
      %select_n3A_510 = arith.select %eq3A_508, %jit3A_509, %jit3A_506 : i32
      %rem3A_511 = arith.remsi %add3A_481, %select_n3A_510 : i32
      %ne3A_512 = arith.constant 0 : i32
      %ne3A_513 = arith.cmpi ne, %rem3A_511, %ne3A_512 : i32
      %lt3A_514 = arith.constant 0 : i32
      %lt3A_515 = arith.cmpi slt, %rem3A_511, %lt3A_514 : i32
      %lt3A_516 = arith.constant 0 : i32
      %lt3A_517 = arith.cmpi slt, %select_n3A_510, %lt3A_516 : i32
      %ne3A_518 = arith.xori %lt3A_515, %lt3A_517 : i1
      %and3A_519 = arith.andi %ne3A_518, %ne3A_513 : i1
      %add3A_520 = arith.addi %rem3A_511, %select_n3A_510 : i32
      %select_n3A_521 = arith.select %and3A_519, %add3A_520, %rem3A_511 : i32
      %mul3A_522 = arith.constant 256 : i32
      %mul3A_523 = arith.muli %select_n3A_521, %mul3A_522 : i32
      %dma_wait3A_524 = arith.constant 3 : i32
      %dma_wait3A_525 = arith.constant 0 : i32
      %dma_wait3A_526 = arith.constant 0 : i32
      %dma_wait3A_527 = tpu.memref_slice %arg6[%dma_wait3A_524, %dma_wait3A_525, %dma_wait3A_526] : memref<4x256x64xf32, #tpu.memory_space<vmem>> -> memref<1x256x64xf32, #tpu.memory_space<vmem>>
      %dma_wait3A_528 = tpu.memref_squeeze %dma_wait3A_527 : memref<1x256x64xf32, #tpu.memory_space<vmem>> -> memref<256x64xf32, #tpu.memory_space<vmem>>
      %dma_wait3A_529 = tpu.memref_slice %arg5[%select_n3A_505, %mul3A_523] : memref<50x512xi32, #tpu.memory_space<vmem>> -> memref<1x256xi32, #tpu.memory_space<vmem>>
      %dma_wait3A_530 = tpu.memref_squeeze %dma_wait3A_529 : memref<1x256xi32, #tpu.memory_space<vmem>> -> memref<256xi32, #tpu.memory_space<vmem>>
      %dma_wait3A_531 = arith.constant 0 : i32
      %dma_wait3A_532 = arith.constant 0 : i32
      %dma_wait3A_533 = tpu.memref_slice %arg2[%dma_wait3A_531, %dma_wait3A_532] : memref<1000000x64xf32, #tpu.memory_space<hbm>> -> memref<1000000x64xf32, #tpu.memory_space<hbm>>
      tpu.wait_indirect_dma semaphore(%arg10 : memref<!tpu.dma_semaphore, #tpu.memory_space<semaphore_mem>>) src(%dma_wait3A_533 : memref<1000000x64xf32, #tpu.memory_space<hbm>>) dst(%dma_wait3A_528 : memref<256x64xf32, #tpu.memory_space<vmem>>)
      %jit3A_534 = arith.constant 2 : i32
      %div3A_535 = arith.divsi %add3A_481, %jit3A_534 : i32
      %sign3A_536 = arith.constant 0 : i32
      %sign3A_537 = arith.cmpi sgt, %add3A_481, %sign3A_536 : i32
      %sign3A_538 = arith.extui %sign3A_537 : i1 to i32
      %sign3A_539 = arith.constant 0 : i32
      %sign3A_540 = arith.cmpi slt, %add3A_481, %sign3A_539 : i32
      %sign3A_541 = arith.extui %sign3A_540 : i1 to i32
      %sign3A_542 = arith.subi %sign3A_538, %sign3A_541 : i32
      %sign3A_543 = arith.constant 0 : i32
      %sign3A_544 = arith.cmpi sgt, %jit3A_534, %sign3A_543 : i32
      %sign3A_545 = arith.extui %sign3A_544 : i1 to i32
      %sign3A_546 = arith.constant 0 : i32
      %sign3A_547 = arith.cmpi slt, %jit3A_534, %sign3A_546 : i32
      %sign3A_548 = arith.extui %sign3A_547 : i1 to i32
      %sign3A_549 = arith.subi %sign3A_545, %sign3A_548 : i32
      %ne3A_550 = arith.cmpi ne, %sign3A_542, %sign3A_549 : i32
      %rem3A_551 = arith.remsi %add3A_481, %jit3A_534 : i32
      %ne3A_552 = arith.constant 0 : i32
      %ne3A_553 = arith.cmpi ne, %rem3A_551, %ne3A_552 : i32
      %and3A_554 = arith.andi %ne3A_550, %ne3A_553 : i1
      %sub3A_555 = arith.constant 1 : i32
      %sub3A_556 = arith.subi %div3A_535, %sub3A_555 : i32
      %select_n3A_557 = arith.select %and3A_554, %sub3A_556, %div3A_535 : i32
      %jit3A_558 = arith.constant 2 : i32
      %eq3A_559 = arith.constant 0 : i32
      %eq3A_560 = arith.cmpi eq, %jit3A_558, %eq3A_559 : i32
      %jit3A_561 = arith.constant 1 : i32
      %select_n3A_562 = arith.select %eq3A_560, %jit3A_561, %jit3A_558 : i32
      %rem3A_563 = arith.remsi %add3A_481, %select_n3A_562 : i32
      %ne3A_564 = arith.constant 0 : i32
      %ne3A_565 = arith.cmpi ne, %rem3A_563, %ne3A_564 : i32
      %lt3A_566 = arith.constant 0 : i32
      %lt3A_567 = arith.cmpi slt, %rem3A_563, %lt3A_566 : i32
      %lt3A_568 = arith.constant 0 : i32
      %lt3A_569 = arith.cmpi slt, %select_n3A_562, %lt3A_568 : i32
      %ne3A_570 = arith.xori %lt3A_567, %lt3A_569 : i1
      %and3A_571 = arith.andi %ne3A_570, %ne3A_565 : i1
      %add3A_572 = arith.addi %rem3A_563, %select_n3A_562 : i32
      %select_n3A_573 = arith.select %and3A_571, %add3A_572, %rem3A_563 : i32
      %mul3A_574 = arith.constant 256 : i32
      %mul3A_575 = arith.muli %select_n3A_573, %mul3A_574 : i32
      %add3A_576 = arith.addi %mul3A_2, %mul3A_575 : i32
      %dma_start3A_577 = arith.constant 3 : i32
      %dma_start3A_578 = arith.constant 0 : i32
      %dma_start3A_579 = arith.constant 0 : i32
      %dma_start3A_580 = tpu.memref_slice %arg6[%dma_start3A_577, %dma_start3A_578, %dma_start3A_579] : memref<4x256x64xf32, #tpu.memory_space<vmem>> -> memref<1x256x64xf32, #tpu.memory_space<vmem>>
      %dma_start3A_581 = tpu.memref_squeeze %dma_start3A_580 : memref<1x256x64xf32, #tpu.memory_space<vmem>> -> memref<256x64xf32, #tpu.memory_space<vmem>>
      %dma_start3A_582 = arith.constant 0 : i32
      %dma_start3A_583 = tpu.memref_slice %arg4[%select_n3A_557, %add3A_576, %dma_start3A_582] : memref<50x16384x64xf32, #tpu.memory_space<hbm>> -> memref<1x256x64xf32, #tpu.memory_space<hbm>>
      %dma_start3A_584 = tpu.memref_squeeze %dma_start3A_583 : memref<1x256x64xf32, #tpu.memory_space<hbm>> -> memref<256x64xf32, #tpu.memory_space<hbm>>
      %dma_start3A_585 = arith.constant 0 : i32
      %dma_start3A_586 = tpu.memref_slice %arg4[%select_n3A_557, %add3A_576, %dma_start3A_585] : memref<50x16384x64xf32, #tpu.memory_space<hbm>> -> memref<1x256x64xf32, #tpu.memory_space<hbm>>
      %dma_start3A_587 = tpu.memref_squeeze %dma_start3A_586 : memref<1x256x64xf32, #tpu.memory_space<hbm>> -> memref<256x64xf32, #tpu.memory_space<hbm>>
      %dma_start3A_588 = arith.constant 0 : i32
      %dma_start3A_589 = arith.constant 0 : i32
      %dma_start3A_590 = tpu.memref_slice %arg6[%dma_start3A_577, %dma_start3A_588, %dma_start3A_589] : memref<4x256x64xf32, #tpu.memory_space<vmem>> -> memref<1x256x64xf32, #tpu.memory_space<vmem>>
      %dma_start3A_591 = tpu.memref_squeeze %dma_start3A_590 : memref<1x256x64xf32, #tpu.memory_space<vmem>> -> memref<256x64xf32, #tpu.memory_space<vmem>>
      tpu.enqueue_dma source(%dma_start3A_591 : memref<256x64xf32, #tpu.memory_space<vmem>>) target(%dma_start3A_587 : memref<256x64xf32, #tpu.memory_space<hbm>>) target_semaphore(%arg14 : memref<!tpu.dma_semaphore, #tpu.memory_space<semaphore_mem>>)
      %add3A_592 = arith.constant 4 : i32
      %add3A_593 = arith.addi %add3A_481, %add3A_592 : i32
      %lt3A_594 = arith.constant 100 : i32
      %lt3A_595 = arith.cmpi slt, %add3A_593, %lt3A_594 : i32
      %convert_element_type3A_596 = arith.extui %lt3A_595 : i1 to i32
      %cond3A_597 = arith.constant 0 : i32
      %cond3A_598 = arith.cmpi ne, %convert_element_type3A_596, %cond3A_597 : i32
      scf.if %cond3A_598 {
        %jit3A_599 = arith.constant 2 : i32
        %div3A_600 = arith.divsi %add3A_481, %jit3A_599 : i32
        %sign3A_601 = arith.constant 0 : i32
        %sign3A_602 = arith.cmpi sgt, %add3A_481, %sign3A_601 : i32
        %sign3A_603 = arith.extui %sign3A_602 : i1 to i32
        %sign3A_604 = arith.constant 0 : i32
        %sign3A_605 = arith.cmpi slt, %add3A_481, %sign3A_604 : i32
        %sign3A_606 = arith.extui %sign3A_605 : i1 to i32
        %sign3A_607 = arith.subi %sign3A_603, %sign3A_606 : i32
        %sign3A_608 = arith.constant 0 : i32
        %sign3A_609 = arith.cmpi sgt, %jit3A_599, %sign3A_608 : i32
        %sign3A_610 = arith.extui %sign3A_609 : i1 to i32
        %sign3A_611 = arith.constant 0 : i32
        %sign3A_612 = arith.cmpi slt, %jit3A_599, %sign3A_611 : i32
        %sign3A_613 = arith.extui %sign3A_612 : i1 to i32
        %sign3A_614 = arith.subi %sign3A_610, %sign3A_613 : i32
        %ne3A_615 = arith.cmpi ne, %sign3A_607, %sign3A_614 : i32
        %rem3A_616 = arith.remsi %add3A_481, %jit3A_599 : i32
        %ne3A_617 = arith.constant 0 : i32
        %ne3A_618 = arith.cmpi ne, %rem3A_616, %ne3A_617 : i32
        %and3A_619 = arith.andi %ne3A_615, %ne3A_618 : i1
        %sub3A_620 = arith.constant 1 : i32
        %sub3A_621 = arith.subi %div3A_600, %sub3A_620 : i32
        %select_n3A_622 = arith.select %and3A_619, %sub3A_621, %div3A_600 : i32
        %jit3A_623 = arith.constant 2 : i32
        %eq3A_624 = arith.constant 0 : i32
        %eq3A_625 = arith.cmpi eq, %jit3A_623, %eq3A_624 : i32
        %jit3A_626 = arith.constant 1 : i32
        %select_n3A_627 = arith.select %eq3A_625, %jit3A_626, %jit3A_623 : i32
        %rem3A_628 = arith.remsi %add3A_481, %select_n3A_627 : i32
        %ne3A_629 = arith.constant 0 : i32
        %ne3A_630 = arith.cmpi ne, %rem3A_628, %ne3A_629 : i32
        %lt3A_631 = arith.constant 0 : i32
        %lt3A_632 = arith.cmpi slt, %rem3A_628, %lt3A_631 : i32
        %lt3A_633 = arith.constant 0 : i32
        %lt3A_634 = arith.cmpi slt, %select_n3A_627, %lt3A_633 : i32
        %ne3A_635 = arith.xori %lt3A_632, %lt3A_634 : i1
        %and3A_636 = arith.andi %ne3A_635, %ne3A_630 : i1
        %add3A_637 = arith.addi %rem3A_628, %select_n3A_627 : i32
        %select_n3A_638 = arith.select %and3A_636, %add3A_637, %rem3A_628 : i32
        %mul3A_639 = arith.constant 256 : i32
        %mul3A_640 = arith.muli %select_n3A_638, %mul3A_639 : i32
        %add3A_641 = arith.addi %mul3A_2, %mul3A_640 : i32
        %dma_wait3A_642 = arith.constant 3 : i32
        %dma_wait3A_643 = arith.constant 0 : i32
        %dma_wait3A_644 = arith.constant 0 : i32
        %dma_wait3A_645 = tpu.memref_slice %arg6[%dma_wait3A_642, %dma_wait3A_643, %dma_wait3A_644] : memref<4x256x64xf32, #tpu.memory_space<vmem>> -> memref<1x256x64xf32, #tpu.memory_space<vmem>>
        %dma_wait3A_646 = tpu.memref_squeeze %dma_wait3A_645 : memref<1x256x64xf32, #tpu.memory_space<vmem>> -> memref<256x64xf32, #tpu.memory_space<vmem>>
        %dma_wait3A_647 = arith.constant 0 : i32
        %dma_wait3A_648 = tpu.memref_slice %arg4[%select_n3A_622, %add3A_641, %dma_wait3A_647] : memref<50x16384x64xf32, #tpu.memory_space<hbm>> -> memref<1x256x64xf32, #tpu.memory_space<hbm>>
        %dma_wait3A_649 = tpu.memref_squeeze %dma_wait3A_648 : memref<1x256x64xf32, #tpu.memory_space<hbm>> -> memref<256x64xf32, #tpu.memory_space<hbm>>
        %dma_wait3A_650 = arith.constant 0 : i32
        %dma_wait3A_651 = tpu.memref_slice %arg4[%select_n3A_622, %add3A_641, %dma_wait3A_650] : memref<50x16384x64xf32, #tpu.memory_space<hbm>> -> memref<1x256x64xf32, #tpu.memory_space<hbm>>
        %dma_wait3A_652 = tpu.memref_squeeze %dma_wait3A_651 : memref<1x256x64xf32, #tpu.memory_space<hbm>> -> memref<256x64xf32, #tpu.memory_space<hbm>>
        %dma_wait3A_653 = arith.constant 0 : i32
        %dma_wait3A_654 = arith.constant 0 : i32
        %dma_wait3A_655 = tpu.memref_slice %arg6[%dma_wait3A_642, %dma_wait3A_653, %dma_wait3A_654] : memref<4x256x64xf32, #tpu.memory_space<vmem>> -> memref<1x256x64xf32, #tpu.memory_space<vmem>>
        %dma_wait3A_656 = tpu.memref_squeeze %dma_wait3A_655 : memref<1x256x64xf32, #tpu.memory_space<vmem>> -> memref<256x64xf32, #tpu.memory_space<vmem>>
        tpu.wait_dma2 semaphore(%arg14 : memref<!tpu.dma_semaphore, #tpu.memory_space<semaphore_mem>>) src(%dma_wait3A_656 : memref<256x64xf32, #tpu.memory_space<vmem>>) dst(%dma_wait3A_652 : memref<256x64xf32, #tpu.memory_space<hbm>>)
        %add3A_657 = arith.constant 4 : i32
        %add3A_658 = arith.addi %add3A_481, %add3A_657 : i32
        %jit3A_659 = arith.constant 2 : i32
        %div3A_660 = arith.divsi %add3A_658, %jit3A_659 : i32
        %sign3A_661 = arith.constant 0 : i32
        %sign3A_662 = arith.cmpi sgt, %add3A_658, %sign3A_661 : i32
        %sign3A_663 = arith.extui %sign3A_662 : i1 to i32
        %sign3A_664 = arith.constant 0 : i32
        %sign3A_665 = arith.cmpi slt, %add3A_658, %sign3A_664 : i32
        %sign3A_666 = arith.extui %sign3A_665 : i1 to i32
        %sign3A_667 = arith.subi %sign3A_663, %sign3A_666 : i32
        %sign3A_668 = arith.constant 0 : i32
        %sign3A_669 = arith.cmpi sgt, %jit3A_659, %sign3A_668 : i32
        %sign3A_670 = arith.extui %sign3A_669 : i1 to i32
        %sign3A_671 = arith.constant 0 : i32
        %sign3A_672 = arith.cmpi slt, %jit3A_659, %sign3A_671 : i32
        %sign3A_673 = arith.extui %sign3A_672 : i1 to i32
        %sign3A_674 = arith.subi %sign3A_670, %sign3A_673 : i32
        %ne3A_675 = arith.cmpi ne, %sign3A_667, %sign3A_674 : i32
        %rem3A_676 = arith.remsi %add3A_658, %jit3A_659 : i32
        %ne3A_677 = arith.constant 0 : i32
        %ne3A_678 = arith.cmpi ne, %rem3A_676, %ne3A_677 : i32
        %and3A_679 = arith.andi %ne3A_675, %ne3A_678 : i1
        %sub3A_680 = arith.constant 1 : i32
        %sub3A_681 = arith.subi %div3A_660, %sub3A_680 : i32
        %select_n3A_682 = arith.select %and3A_679, %sub3A_681, %div3A_660 : i32
        %jit3A_683 = arith.constant 2 : i32
        %eq3A_684 = arith.constant 0 : i32
        %eq3A_685 = arith.cmpi eq, %jit3A_683, %eq3A_684 : i32
        %jit3A_686 = arith.constant 1 : i32
        %select_n3A_687 = arith.select %eq3A_685, %jit3A_686, %jit3A_683 : i32
        %rem3A_688 = arith.remsi %add3A_658, %select_n3A_687 : i32
        %ne3A_689 = arith.constant 0 : i32
        %ne3A_690 = arith.cmpi ne, %rem3A_688, %ne3A_689 : i32
        %lt3A_691 = arith.constant 0 : i32
        %lt3A_692 = arith.cmpi slt, %rem3A_688, %lt3A_691 : i32
        %lt3A_693 = arith.constant 0 : i32
        %lt3A_694 = arith.cmpi slt, %select_n3A_687, %lt3A_693 : i32
        %ne3A_695 = arith.xori %lt3A_692, %lt3A_694 : i1
        %and3A_696 = arith.andi %ne3A_695, %ne3A_690 : i1
        %add3A_697 = arith.addi %rem3A_688, %select_n3A_687 : i32
        %select_n3A_698 = arith.select %and3A_696, %add3A_697, %rem3A_688 : i32
        %mul3A_699 = arith.constant 256 : i32
        %mul3A_700 = arith.muli %select_n3A_698, %mul3A_699 : i32
        %dma_start3A_701 = arith.constant 3 : i32
        %dma_start3A_702 = arith.constant 0 : i32
        %dma_start3A_703 = arith.constant 0 : i32
        %dma_start3A_704 = tpu.memref_slice %arg6[%dma_start3A_701, %dma_start3A_702, %dma_start3A_703] : memref<4x256x64xf32, #tpu.memory_space<vmem>> -> memref<1x256x64xf32, #tpu.memory_space<vmem>>
        %dma_start3A_705 = tpu.memref_squeeze %dma_start3A_704 : memref<1x256x64xf32, #tpu.memory_space<vmem>> -> memref<256x64xf32, #tpu.memory_space<vmem>>
        %dma_start3A_706 = tpu.memref_slice %arg5[%select_n3A_682, %mul3A_700] : memref<50x512xi32, #tpu.memory_space<vmem>> -> memref<1x256xi32, #tpu.memory_space<vmem>>
        %dma_start3A_707 = tpu.memref_squeeze %dma_start3A_706 : memref<1x256xi32, #tpu.memory_space<vmem>> -> memref<256xi32, #tpu.memory_space<vmem>>
        %dma_start3A_708 = arith.constant 0 : i32
        %dma_start3A_709 = arith.constant 0 : i32
        %dma_start3A_710 = tpu.memref_slice %arg2[%dma_start3A_708, %dma_start3A_709] : memref<1000000x64xf32, #tpu.memory_space<hbm>> -> memref<1000000x64xf32, #tpu.memory_space<hbm>>
        tpu.enqueue_indirect_dma source(%dma_start3A_710 : memref<1000000x64xf32, #tpu.memory_space<hbm>>) target(%dma_start3A_705 : memref<256x64xf32, #tpu.memory_space<vmem>>) offsets(%dma_start3A_707 : memref<256xi32, #tpu.memory_space<vmem>>) semaphore(%arg10 : memref<!tpu.dma_semaphore, #tpu.memory_space<semaphore_mem>>)
      } else {
      }
    }
    %scan3A_54 = arith.constant 25 : i32
    %add3A_55 = arith.constant 0 : i32
    %add3A_56 = arith.addi %mul3A_2, %add3A_55 : i32
    %dma_wait3A = arith.constant 0 : i32
    %dma_wait3A_57 = arith.constant 48 : i32
    %dma_wait3A_58 = arith.constant 0 : i32
    %dma_wait3A_59 = arith.constant 0 : i32
    %dma_wait3A_60 = tpu.memref_slice %arg6[%dma_wait3A, %dma_wait3A_58, %dma_wait3A_59] : memref<4x256x64xf32, #tpu.memory_space<vmem>> -> memref<1x256x64xf32, #tpu.memory_space<vmem>>
    %dma_wait3A_61 = tpu.memref_squeeze %dma_wait3A_60 : memref<1x256x64xf32, #tpu.memory_space<vmem>> -> memref<256x64xf32, #tpu.memory_space<vmem>>
    %dma_wait3A_62 = arith.constant 0 : i32
    %dma_wait3A_63 = tpu.memref_slice %arg4[%dma_wait3A_57, %add3A_56, %dma_wait3A_62] : memref<50x16384x64xf32, #tpu.memory_space<hbm>> -> memref<1x256x64xf32, #tpu.memory_space<hbm>>
    %dma_wait3A_64 = tpu.memref_squeeze %dma_wait3A_63 : memref<1x256x64xf32, #tpu.memory_space<hbm>> -> memref<256x64xf32, #tpu.memory_space<hbm>>
    %dma_wait3A_65 = arith.constant 0 : i32
    %dma_wait3A_66 = tpu.memref_slice %arg4[%dma_wait3A_57, %add3A_56, %dma_wait3A_65] : memref<50x16384x64xf32, #tpu.memory_space<hbm>> -> memref<1x256x64xf32, #tpu.memory_space<hbm>>
    %dma_wait3A_67 = tpu.memref_squeeze %dma_wait3A_66 : memref<1x256x64xf32, #tpu.memory_space<hbm>> -> memref<256x64xf32, #tpu.memory_space<hbm>>
    %dma_wait3A_68 = arith.constant 0 : i32
    %dma_wait3A_69 = arith.constant 0 : i32
    %dma_wait3A_70 = tpu.memref_slice %arg6[%dma_wait3A, %dma_wait3A_68, %dma_wait3A_69] : memref<4x256x64xf32, #tpu.memory_space<vmem>> -> memref<1x256x64xf32, #tpu.memory_space<vmem>>
    %dma_wait3A_71 = tpu.memref_squeeze %dma_wait3A_70 : memref<1x256x64xf32, #tpu.memory_space<vmem>> -> memref<256x64xf32, #tpu.memory_space<vmem>>
    tpu.wait_dma2 semaphore(%arg11 : memref<!tpu.dma_semaphore, #tpu.memory_space<semaphore_mem>>) src(%dma_wait3A_71 : memref<256x64xf32, #tpu.memory_space<vmem>>) dst(%dma_wait3A_67 : memref<256x64xf32, #tpu.memory_space<hbm>>)
    %add3A_72 = arith.constant 256 : i32
    %add3A_73 = arith.addi %mul3A_2, %add3A_72 : i32
    %dma_wait3A_74 = arith.constant 1 : i32
    %dma_wait3A_75 = arith.constant 48 : i32
    %dma_wait3A_76 = arith.constant 0 : i32
    %dma_wait3A_77 = arith.constant 0 : i32
    %dma_wait3A_78 = tpu.memref_slice %arg6[%dma_wait3A_74, %dma_wait3A_76, %dma_wait3A_77] : memref<4x256x64xf32, #tpu.memory_space<vmem>> -> memref<1x256x64xf32, #tpu.memory_space<vmem>>
    %dma_wait3A_79 = tpu.memref_squeeze %dma_wait3A_78 : memref<1x256x64xf32, #tpu.memory_space<vmem>> -> memref<256x64xf32, #tpu.memory_space<vmem>>
    %dma_wait3A_80 = arith.constant 0 : i32
    %dma_wait3A_81 = tpu.memref_slice %arg4[%dma_wait3A_75, %add3A_73, %dma_wait3A_80] : memref<50x16384x64xf32, #tpu.memory_space<hbm>> -> memref<1x256x64xf32, #tpu.memory_space<hbm>>
    %dma_wait3A_82 = tpu.memref_squeeze %dma_wait3A_81 : memref<1x256x64xf32, #tpu.memory_space<hbm>> -> memref<256x64xf32, #tpu.memory_space<hbm>>
    %dma_wait3A_83 = arith.constant 0 : i32
    %dma_wait3A_84 = tpu.memref_slice %arg4[%dma_wait3A_75, %add3A_73, %dma_wait3A_83] : memref<50x16384x64xf32, #tpu.memory_space<hbm>> -> memref<1x256x64xf32, #tpu.memory_space<hbm>>
    %dma_wait3A_85 = tpu.memref_squeeze %dma_wait3A_84 : memref<1x256x64xf32, #tpu.memory_space<hbm>> -> memref<256x64xf32, #tpu.memory_space<hbm>>
    %dma_wait3A_86 = arith.constant 0 : i32
    %dma_wait3A_87 = arith.constant 0 : i32
    %dma_wait3A_88 = tpu.memref_slice %arg6[%dma_wait3A_74, %dma_wait3A_86, %dma_wait3A_87] : memref<4x256x64xf32, #tpu.memory_space<vmem>> -> memref<1x256x64xf32, #tpu.memory_space<vmem>>
    %dma_wait3A_89 = tpu.memref_squeeze %dma_wait3A_88 : memref<1x256x64xf32, #tpu.memory_space<vmem>> -> memref<256x64xf32, #tpu.memory_space<vmem>>
    tpu.wait_dma2 semaphore(%arg12 : memref<!tpu.dma_semaphore, #tpu.memory_space<semaphore_mem>>) src(%dma_wait3A_89 : memref<256x64xf32, #tpu.memory_space<vmem>>) dst(%dma_wait3A_85 : memref<256x64xf32, #tpu.memory_space<hbm>>)
    %add3A_90 = arith.constant 0 : i32
    %add3A_91 = arith.addi %mul3A_2, %add3A_90 : i32
    %dma_wait3A_92 = arith.constant 2 : i32
    %dma_wait3A_93 = arith.constant 49 : i32
    %dma_wait3A_94 = arith.constant 0 : i32
    %dma_wait3A_95 = arith.constant 0 : i32
    %dma_wait3A_96 = tpu.memref_slice %arg6[%dma_wait3A_92, %dma_wait3A_94, %dma_wait3A_95] : memref<4x256x64xf32, #tpu.memory_space<vmem>> -> memref<1x256x64xf32, #tpu.memory_space<vmem>>
    %dma_wait3A_97 = tpu.memref_squeeze %dma_wait3A_96 : memref<1x256x64xf32, #tpu.memory_space<vmem>> -> memref<256x64xf32, #tpu.memory_space<vmem>>
    %dma_wait3A_98 = arith.constant 0 : i32
    %dma_wait3A_99 = tpu.memref_slice %arg4[%dma_wait3A_93, %add3A_91, %dma_wait3A_98] : memref<50x16384x64xf32, #tpu.memory_space<hbm>> -> memref<1x256x64xf32, #tpu.memory_space<hbm>>
    %dma_wait3A_100 = tpu.memref_squeeze %dma_wait3A_99 : memref<1x256x64xf32, #tpu.memory_space<hbm>> -> memref<256x64xf32, #tpu.memory_space<hbm>>
    %dma_wait3A_101 = arith.constant 0 : i32
    %dma_wait3A_102 = tpu.memref_slice %arg4[%dma_wait3A_93, %add3A_91, %dma_wait3A_101] : memref<50x16384x64xf32, #tpu.memory_space<hbm>> -> memref<1x256x64xf32, #tpu.memory_space<hbm>>
    %dma_wait3A_103 = tpu.memref_squeeze %dma_wait3A_102 : memref<1x256x64xf32, #tpu.memory_space<hbm>> -> memref<256x64xf32, #tpu.memory_space<hbm>>
    %dma_wait3A_104 = arith.constant 0 : i32
    %dma_wait3A_105 = arith.constant 0 : i32
    %dma_wait3A_106 = tpu.memref_slice %arg6[%dma_wait3A_92, %dma_wait3A_104, %dma_wait3A_105] : memref<4x256x64xf32, #tpu.memory_space<vmem>> -> memref<1x256x64xf32, #tpu.memory_space<vmem>>
    %dma_wait3A_107 = tpu.memref_squeeze %dma_wait3A_106 : memref<1x256x64xf32, #tpu.memory_space<vmem>> -> memref<256x64xf32, #tpu.memory_space<vmem>>
    tpu.wait_dma2 semaphore(%arg13 : memref<!tpu.dma_semaphore, #tpu.memory_space<semaphore_mem>>) src(%dma_wait3A_107 : memref<256x64xf32, #tpu.memory_space<vmem>>) dst(%dma_wait3A_103 : memref<256x64xf32, #tpu.memory_space<hbm>>)
    %add3A_108 = arith.constant 256 : i32
    %add3A_109 = arith.addi %mul3A_2, %add3A_108 : i32
    %dma_wait3A_110 = arith.constant 3 : i32
    %dma_wait3A_111 = arith.constant 49 : i32
    %dma_wait3A_112 = arith.constant 0 : i32
    %dma_wait3A_113 = arith.constant 0 : i32
    %dma_wait3A_114 = tpu.memref_slice %arg6[%dma_wait3A_110, %dma_wait3A_112, %dma_wait3A_113] : memref<4x256x64xf32, #tpu.memory_space<vmem>> -> memref<1x256x64xf32, #tpu.memory_space<vmem>>
    %dma_wait3A_115 = tpu.memref_squeeze %dma_wait3A_114 : memref<1x256x64xf32, #tpu.memory_space<vmem>> -> memref<256x64xf32, #tpu.memory_space<vmem>>
    %dma_wait3A_116 = arith.constant 0 : i32
    %dma_wait3A_117 = tpu.memref_slice %arg4[%dma_wait3A_111, %add3A_109, %dma_wait3A_116] : memref<50x16384x64xf32, #tpu.memory_space<hbm>> -> memref<1x256x64xf32, #tpu.memory_space<hbm>>
    %dma_wait3A_118 = tpu.memref_squeeze %dma_wait3A_117 : memref<1x256x64xf32, #tpu.memory_space<hbm>> -> memref<256x64xf32, #tpu.memory_space<hbm>>
    %dma_wait3A_119 = arith.constant 0 : i32
    %dma_wait3A_120 = tpu.memref_slice %arg4[%dma_wait3A_111, %add3A_109, %dma_wait3A_119] : memref<50x16384x64xf32, #tpu.memory_space<hbm>> -> memref<1x256x64xf32, #tpu.memory_space<hbm>>
    %dma_wait3A_121 = tpu.memref_squeeze %dma_wait3A_120 : memref<1x256x64xf32, #tpu.memory_space<hbm>> -> memref<256x64xf32, #tpu.memory_space<hbm>>
    %dma_wait3A_122 = arith.constant 0 : i32
    %dma_wait3A_123 = arith.constant 0 : i32
    %dma_wait3A_124 = tpu.memref_slice %arg6[%dma_wait3A_110, %dma_wait3A_122, %dma_wait3A_123] : memref<4x256x64xf32, #tpu.memory_space<vmem>> -> memref<1x256x64xf32, #tpu.memory_space<vmem>>
    %dma_wait3A_125 = tpu.memref_squeeze %dma_wait3A_124 : memref<1x256x64xf32, #tpu.memory_space<vmem>> -> memref<256x64xf32, #tpu.memory_space<vmem>>
    tpu.wait_dma2 semaphore(%arg14 : memref<!tpu.dma_semaphore, #tpu.memory_space<semaphore_mem>>) src(%dma_wait3A_125 : memref<256x64xf32, #tpu.memory_space<vmem>>) dst(%dma_wait3A_121 : memref<256x64xf32, #tpu.memory_space<hbm>>)
    return
  }
}

</mosaic_0001>

<sc_bundles>
// kernel: kernel.3.cloned.1.call-start
scs
__scs_entry_jumppad:
0x0: {  	(pc) =	sbr.rel $0x88, $3  }
0x1: {  	(tag) =	ssettag $0x0;
	lr =	simm.s32 $0x1  }
0x2: {  	[smem:$0x3F9F] =	sst lr;
	_ =	strace $0xD0000000  }
0x3: {  	_ = 	snop  }
0x4: {  	_ = 	snop  }
0x5: {  	_ = 	snop  }
0x6: {  	_ = 	snop  }
0x7: {  	_ = 	snop  }
__scs_overlays_trampoline_lowered:
0x8: {  	[smem:$0x3FAE] =	sst s0  }
0x9: {  	[smem:$0x3FAF] =	sst s1  }
0xa: {  	[smem:$0x3FB0] =	sst s2  }
0xb: {  	[smem:$0x3FB1] =	sst s3  }
0xc: {  	[smem:$0x3FB2] =	sst s4  }
0xd: {  	[smem:$0x3FB3] =	sst s5  }
0xe: {  	[smem:$0x3FB4] =	sst s6  }
0xf: {  	[smem:$0x3FB5] =	sst s7  }
0x10: {  	[smem:$0x3FB6] =	sst s8  }
0x11: {  	[smem:$0x3FB7] =	sst s9;
	s0 =	simm.s32 @!p0 $0x0  }
0x12: {  	s1 =	sld [smem:$0x3F9D];
	s0 =	simm.s32 @p0 $0x1  }
0x13: {  	[smem:$0x3FB8] =	sst s0;
	s0 =	simm.s32 @!p1 $0x0  }
0x14: {  	s2 =	sld [smem:$0x3F9C];
	s0 =	simm.s32 @p1 $0x1  }
0x15: {  	[smem:$0x3FB9] =	sst s0;
	s0 =	simm.s32 @!p2 $0x0  }
0x16: {  	s3 =	sld [smem:$0x3FDB];
	s0 =	simm.s32 @p2 $0x1  }
0x17: {  	s4 =	simm.s32 $0x1BF5;
	[smem:$0x3FBB] =	sst s0  }
0x18: {  	s0 =	sld [smem:$0x3F9E];
	_ =	swait.ge [sflag:s4], $0x0  }
0x19: {  	s7 =	sld [smem:$0x3F9F]  }
0x1a: {  	s8 =	sadd.s32 $0xFFFFE003, lr  }
0x1b: {  	s9 =	sadd.s32 $0xFFFFFEF7, lr;
	s5 =	simm.s32 $0xFFFFFFFF;
	p2 =	slt.u32 s8, $0xFFFFF086  }
0x1c: {  	p1 =	slt.u32 s9, $0xF7A;
	s5 =	simm.s32 @!p2 $0x0  }
0x1d: {  	s5 =	simm.s32 @p1 $0x1;
	p0 =	seq.s32 s7, s2  }
0x1e: {  	s7 =	smul.u32 @!p0 $0xF7A, s2;
	p2 =	seq.s32 @!p0 s5, $0x0  }
0x1f: {  	s9 =	smul.u32 $0xF7A, s1;
	s8 =	simm.s32 @!p0 $0x1BF5;
	p2 =	por !p2, p0  }
0x20: {  	[sflag:s8] =	ssyncset.s32 @!p0 $0xFFFFF086;
	s6 =	sadd.s32 @!p0 s3, s7;
	s7 =	simm.s32 @!p0 $0x108  }
0x21: {  	s3 =	sadd.s32 s3, s9;
	s6 =	sadd.s32 @!p0 $0x88, s6;
	s7 =	simm.s32 @p2 $0x1082  }
0x22: {  	[simem:s7], [sflag:s8] =	dma.local @!p0 [hbm:s6], $0xF7A  }
0x23: {  	s9 =	sor.u32 $0xD0000000, s2;
	s6 =	simm.s32 $0x108;
	_ =	swait.ge @!p0 [sflag:s8], $0x0  }
0x24: {  	s3 =	sadd.s32 $0x88, s3;
	s6 =	simm.s32 @!p1 $0x1082;
	[sflag:s4] =	ssyncset.s32 $0xFFFFF086  }
0x25: {  	[simem:s6], [sflag:s4] =	dma.local [hbm:s3], $0xF7A  }
0x26: {  	[smem:$0x3F9F] =	sst s1;
	(tag) =	ssettag s2;
	_ =	strace s9  }
0x27: {  	s1 =	sld [smem:$0x3FAF]  }
0x28: {  	s2 =	sld [smem:$0x3FB0]  }
0x29: {  	s4 =	sld [smem:$0x3FB2]  }
0x2a: {  	p0 =	seq.s32 s5, $0x0;
	s5 =	sld [smem:$0x3FB3]  }
0x2b: {  	s6 =	sld [smem:$0x3FB4]  }
0x2c: {  	s7 =	sld [smem:$0x3FB5]  }
0x2d: {  	s3 =	simm.s32 $0x108;
	s8 =	sld [smem:$0x3FB6]  }
0x2e: {  	s3 =	simm.s32 @!p0 $0x1082;
	s9 =	sld [smem:$0x3FB7]  }
0x2f: {  	lr =	sadd.s32 s0, s3;
	s0 =	sld [smem:$0x3FAE]  }
0x30: {  	s3 =	sld [smem:$0x3FB1]  }
0x31: {  	[smem:$0x3FBA] =	sst s10  }
0x32: {  	s10 =	sld [smem:$0x3FB8];
	_ =	sdelay $0x3  }
0x33: {  	p0 =	seq.s32 s10, $0x1;
	s10 =	sld [smem:$0x3FBA];
	_ =	sdelay $0x3  }
0x34: {  	[smem:$0x3FBA] =	sst s10  }
0x35: {  	s10 =	sld [smem:$0x3FB9];
	_ =	sdelay $0x3  }
0x36: {  	p1 =	seq.s32 s10, $0x1;
	s10 =	sld [smem:$0x3FBA];
	_ =	sdelay $0x3  }
0x37: {  	[smem:$0x3FBA] =	sst s10  }
0x38: {  	s10 =	sld [smem:$0x3FBB]  }
0x39: {  	_ = 	snop;
	(pc) =	sbr.ind lr, $3  }
0x3a: {  	_ = 	snop  }
0x3b: {  	_ = 	snop  }
0x3c: {  	p2 =	seq.s32 s10, $0x1;
	s10 =	sld [smem:$0x3FBA]  }
0x3d: {  	_ =	shalt  }
0x3e: {  	_ =	shalt  }
0x3f: {  	_ =	shalt  }
0x40: {  	_ =	shalt  }
0x41: {  	_ =	shalt  }
0x42: {  	_ =	shalt  }
0x43: {  	_ =	shalt  }
0x44: {  	_ =	shalt  }
0x45: {  	_ =	shalt  }
0x46: {  	_ =	shalt  }
0x47: {  	_ =	shalt  }
0x48: {  	_ =	shalt  }
0x49: {  	_ =	shalt  }
0x4a: {  	_ =	shalt  }
0x4b: {  	_ =	shalt  }
0x4c: {  	_ =	shalt  }
0x4d: {  	_ =	shalt  }
0x4e: {  	_ =	shalt  }
0x4f: {  	_ =	shalt  }
0x50: {  	_ =	shalt  }
0x51: {  	_ =	shalt  }
0x52: {  	_ =	shalt  }
0x53: {  	_ =	shalt  }
0x54: {  	_ =	shalt  }
0x55: {  	_ =	shalt  }
0x56: {  	_ =	shalt  }
0x57: {  	_ =	shalt  }
0x58: {  	_ =	shalt  }
0x59: {  	_ =	shalt  }
0x5a: {  	_ =	shalt  }
0x5b: {  	_ =	shalt  }
0x5c: {  	_ =	shalt  }
0x5d: {  	_ =	shalt  }
0x5e: {  	_ =	shalt  }
0x5f: {  	_ =	shalt  }
0x60: {  	_ =	shalt  }
0x61: {  	_ =	shalt  }
0x62: {  	_ =	shalt  }
0x63: {  	_ =	shalt  }
0x64: {  	_ =	shalt  }
0x65: {  	_ =	shalt  }
0x66: {  	_ =	shalt  }
0x67: {  	_ =	shalt  }
0x68: {  	_ =	shalt  }
0x69: {  	_ =	shalt  }
0x6a: {  	_ =	shalt  }
0x6b: {  	_ =	shalt  }
0x6c: {  	_ =	shalt  }
0x6d: {  	_ =	shalt  }
0x6e: {  	_ =	shalt  }
0x6f: {  	_ =	shalt  }
0x70: {  	_ =	shalt  }
0x71: {  	_ =	shalt  }
0x72: {  	_ =	shalt  }
0x73: {  	_ =	shalt  }
0x74: {  	_ =	shalt  }
0x75: {  	_ =	shalt  }
0x76: {  	_ =	shalt  }
0x77: {  	_ =	shalt  }
0x78: {  	_ =	shalt  }
0x79: {  	_ =	shalt  }
0x7a: {  	_ =	shalt  }
0x7b: {  	_ =	shalt  }
0x7c: {  	_ =	shalt  }
0x7d: {  	_ =	shalt  }
0x7e: {  	_ =	shalt  }
0x7f: {  	_ =	shalt  }
0x80: {  	_ =	shalt  }
0x81: {  	_ =	shalt  }
0x82: {  	_ =	shalt  }
0x83: {  	_ =	shalt  }
0x84: {  	_ =	shalt  }
0x85: {  	_ =	shalt  }
0x86: {  	_ =	shalt  }
0x87: {  	_ =	shalt  }
.Lfunc_end0:
.L_simem_size_0:
called_computation.1_lowered:
.L_overlay_start_0:
0x88: {  	s2 =	sld [smem:$0x3FD9]  }
0x89: {  	s3 =	sld [smem:$0x3FFE];
	_ =	sdelay $0x1  }
0x8a: {  	s1 =	srdreg.scid  }
0x8b: {  	s0 =	sand.u32 $0x1, s1  }
0x8c: {  	s17 =	sshll.u32 s0, $0xA;
	s2 =	sadd.s32 s3, s2  }
0x8d: {  	s2 =	sadd.s32 s2, s17  }
0x8e: {  	[smem:$0x3FC6] =	sst s2  }
0x8f: {  	_ = 	snop  }
0x90: {  	s2 =	sld [smem:$0x3FD0];
	(tm) =	ssettm $0x1  }
0x91: {  	s18 =	sld [smem:$0x3FFB];
	_ =	sdelay $0x3  }
0x92: {  	_ =	strace s18  }
0x93: {  	s3 =	sld [smem:$0x3FFC];
	_ =	sdelay $0x3  }
0x94: {  	_ =	strace s3  }
0x95: {  	s3 =	sld [smem:$0x3FFD];
	_ =	sdelay $0x3  }
0x96: {  	_ =	strace s3  }
0x97: {  	_ =	strace $0x8FFFFFFF  }
0x98: {  	s19 =	sld [smem:$0x3FDB];
	_ =	sdelay $0x1  }
0x99: {  	s4 =	simm.s32 $_scs_section_size  }
0x9a: {  	s5 =	simm.s32 $_size__tile_overlayer_lowered;
	s6 =	simm.s32 $_tile_overlayer_lowered  }
0x9b: {  	s22 =	simm.s32 $0x1BFF;
	s21 =	sshll.u32 s6, $0x1;
	s3 =	sadd.s32 s4, s19  }
0x9c: {  	s7 =	simm.s32 $0x0;
	s20 =	sshll.u32 s5, $0x1;
	s5 =	sadd.s32 s21, s3  }
0x9d: {  	[timem:s7], [sflag:s22] =	dma.local [hbm:s5], s20  }
0x9e: {  	_ =	swait.ge [sflag:s22], s20  }
0x9f: {  	s4 =	ssub.s32 $0x0, s20;
	[sflag:s22] =	ssyncset.done $0x0  }
0xa0: {  	[sflag:s22] =	ssyncadd.s32 s4;
	_ =	sdelay $0x1  }
0xa1: {  	s23 =	simm.s32 $0x1B8B  }
0xa2: {  	_ =	swait.ge [sflag:s23], $0x1  }
0xa3: {  	[sflag:s23] =	ssyncset.done $0x0  }
0xa4: {  	s25 =	simm.s32 $0x1B8E;
	s24 =	sld [smem:$0x3FFE];
	[sflag:s23] =	ssyncadd.s32 $0xFFFFFFFF  }
0xa5: {  	s26 =	simm.s32 $execute0_lowered;
	[smem:$0x3FD2] =	sst s25  }
0xa6: {  	s5 =	sshll.u32 s26, $0x1;
	_ =	strace $0x80000046;
	[dreg:$0x1] =	wrdreg $0xFFFFFFFF  }
0xa7: {  	s28 =	simm.s32 $_size_execute0_lowered;
	s3 =	sadd.s32 s3, s5;
	[dreg:$0x0] =	wrdreg $0x0  }
0xa8: {  	s5 =	sshll.u32 s28, $0x1;
	[dreg:$0x2] =	wrdreg s3  }
0xa9: {  	[dreg:$0x3] =	wrdreg s5  }
0xaa: {  	[dreg:$0x4] =	wrdreg $0xC0  }
0xab: {  	_ =	task [dreg:s7], $0x5FFFF  }
0xac: {  	[dreg:$0x1] =	wrdreg $0xFFFFFFFF  }
0xad: {  	[dreg:$0x0] =	wrdreg $0x60  }
0xae: {  	[dreg:$0x2] =	wrdreg s24  }
0xaf: {  	[dreg:$0x3] =	wrdreg s2  }
0xb0: {  	[dreg:$0x4] =	wrdreg $0x9  }
0xb1: {  	_ =	task.clear_ibuf [dreg:s7], $0x5FFFF;
	_ =	strace $0x90000046  }
0xb2: {  	s29 =	simm.s32 $0x9;
	_ =	strace $0x80000048  }
0xb3: {  	_ =	swait.ge [sflag:s29], $0x1  }
0xb4: {  	[sflag:s29] =	ssyncadd.s32 $0xFFFFFFFF  }
0xb5: {  	_ =	strace $0x90000048  }
0xb6: {  	_ =	sfence  }
0xb7: {  	s30 =	sld [smem:$0x0];
	_ =	sdelay $0x2  }
0xb8: {  	s31 =	sshll.u32 s1, $0xD;
	s1 =	sshrl.u32 s1, $0x2  }
0xb9: {  	s3 =	sand.u32 $0x4000, s31;
	s1 =	sadd.s32 s1, s30  }
0xba: {  	s0 =	sor.u32 s3, s0;
	s1 =	sshll.u32 s1, $0x11  }
0xbb: {  	s0 =	sor.u32 s1, s0  }
0xbc: {  	s0 =	sadd.s32 $0x8F2B, s0  }
0xbd: {  	[sflag:s0] =	ssyncadd.remote.s32 $0x1  }
0xbe: {  	_ =	sfence.sel $0xFFFF  }
0xbf: {  	[dreg:$0x0] =	wrdreg $0xFFFFFFFF;
	(pc) =	sbr.abs _section_cstart, $3  }
0xc0: {  	[dreg:$0x1] =	wrdreg $0xFFFFFFFF  }
0xc1: {  	_ =	task.clear_ibuf [dreg:s7], $0x2FFFF;
	_ =	strace $0x9FFFFFFF  }
0xc2: {  	(tm) =	ssettm $0x7FFFFFFF  }
0xc3: {  	_ =	shalt  }
tec
execute0_lowered:
.L_overlay_start_1:
0x0: {  	(tag) =	ssettag $0x1  }
0x1: {  	s4 =	rddreg [dreg:$0x0]  }
0x2: {  	s7 =	rddreg [dreg:$0x1]  }
0x3: {  	s2 =	simm.s32 $0x0;
	s3 =	srdreg.scid;
	s1 =	stileid.u32  }
0x4: {  	s11 =	simm.s32 $0x100;
	s12 =	simm.s32 $0x6400;
	s13 =	simm.s32 $0xA400  }
0x5: {  	s14 =	simm.s32 $0xE400;
	s15 =	simm.s32 $0x300;
	s16 =	simm.s32 $0x12400  }
0x6: {  	s17 =	simm.s32 $0x1;
	s18 =	simm.s32 $0x3;
	s19 =	simm.s32 $0x4  }
0x7: {  	s20 =	simm.s32 $0x5;
	s21 =	simm.s32 $0x6;
	s22 =	simm.s32 $0x7  }
0x8: {  	s23 =	simm.s32 $0x8;
	s24 =	simm.s32 $0x0;
	[smem:$0x7FF] =	sst s2  }
0x9: {  	s8 =	sand.u32 $0x1, s3;
	s5 =	sshll.u32 s1, $0xA;
	s3 =	sadd.s32 $0xF42E00, s4  }
0xa: {  	s31 =	sshll.u32 s1, $0xD;
	_ =	strace $0x80000047;
	s6 =	sshll.u32 s8, $0x9  }
0xb: {  	s30 =	ssub.s32 $0x2, s8;
	s8 =	sshll.u32 s8, $0xC;
	s5 =	sor.u32 s6, s5  }
.Ltmp0:
0xc: {  	s10 =	sshrl.u32 s30, $0x1;
	s9 =	sshrl.u32 s5, $0x3;
	(pc) =	sbr.rel .LBB2_1-.Ltmp0, $4  }
0xd: {  	s5 =	sshll.u32 s5, $0x3;
	s6 =	ssub.s32 s30, s10;
	s10 =	simm.s32 $0x9  }
0xe: {  	s4 =	sadd.s32 s9, s4;
	s5 =	sadd.s32 s5, s7;
	s6 =	smax.u32 s6, $0x1  }
0xf: {  	s7 =	sadd.s32 s31, s7;
	s9 =	simm.s32 $0x4000;
	s4 =	sadd.s32 $0xA00, s4  }
0x10: {  	s5 =	sadd.s32 $0x600800, s5;
	s7 =	sadd.s32 s8, s7;
	s8 =	simm.s32 $0x200  }
.LBB2_4:
0x11: {  	_ =	swait.ge [sflag:s19], $0x4000  }
0x12: {  	[sflag:s19] =	ssyncset.done $0x0  }
0x13: {  	[sflag:s19] =	ssyncadd.s32 $0xFFFFC000  }
0x14: {  	[hbm4b:s28+s2] =	stream.linear.scatter [tilespmem:s16], [sflag:$0x8], $0x4000, $0x38;
	[tilespmem:$0x16400] =	vst v63  }
0x15: {  	_ =	swait.ge [sflag:s20], $0x4000  }
0x16: {  	[sflag:s20] =	ssyncset.done $0x0  }
0x17: {  	[sflag:s20] =	ssyncadd.s32 $0xFFFFC000  }
0x18: {  	_ =	swait.ge [sflag:s21], $0x4000  }
0x19: {  	[sflag:s21] =	ssyncset.done $0x0  }
0x1a: {  	s24 =	sadd.s32 $0x1, s24;
	[sflag:s21] =	ssyncadd.s32 $0xFFFFC000  }
0x1b: {  	p0 =	sne.s32 s24, s6;
	_ =	swait.ge [sflag:s22], $0x4000  }
.Ltmp1:
0x1c: {  	[sflag:s22] =	ssyncset.done $0x0;
	(pc) =	sbr.rel @!p0 .LBB2_5-.Ltmp1, $4  }
0x1d: {  	[sflag:s22] =	ssyncadd.s32 $0xFFFFC000  }
0x1e: {  	_ =	swait.ge [sflag:s23], $0x4000  }
0x1f: {  	[sflag:s23] =	ssyncset.done $0x0  }
0x20: {  	[sflag:s23] =	ssyncadd.s32 $0xFFFFC000  }
.LBB2_1:
0x21: {  	[tilespmem:s2], [sflag:$0x9] =	stream.strided.gather [hbm4b:s4+s8], $0x6400, s9, s8, $0x38;
	[tilespmem:$0x16400] =	vst v63  }
0x22: {  	_ =	swait.ge [sflag:s10], $0x6400  }
0x23: {  	[sflag:s10] =	ssyncset.done $0x0  }
0x24: {  	[sflag:s10] =	ssyncadd.s32 $0xFFFF9C00  }
0x25: {  	[tilespmem:s12], [sflag:$0x1] =	stream.indirect.gather [hbm4b:s3+s11], $0x40, s2, s11, $0xb8;
	[tilespmem:$0x16400] =	vst v63  }
0x26: {  	_ = 	snop  }
0x27: {  	[tilespmem:s13], [sflag:$0x2] =	stream.indirect.gather [hbm4b:s3+s11], $0x40, s11, s11, $0xb8;
	[tilespmem:$0x16400] =	vst v63  }
0x28: {  	_ = 	snop  }
0x29: {  	[tilespmem:s14], [sflag:$0x3] =	stream.indirect.gather [hbm4b:s3+s11], $0x40, s8, s11, $0xb8;
	[tilespmem:$0x16400] =	vst v63  }
0x2a: {  	s25 =	simm.s32 $0x700;
	s26 =	simm.s32 $0x0  }
0x2b: {  	[tilespmem:s16], [sflag:$0x4] =	stream.indirect.gather [hbm4b:s3+s11], $0x40, s15, s11, $0xb8;
	[tilespmem:$0x16400] =	vst v63  }
.LBB2_2:
0x2c: {  	_ =	swait.ge [sflag:s17], $0x4000  }
0x2d: {  	p0 =	seq.s32 s26, $0x600000;
	[sflag:s17] =	ssyncset.done $0x0  }
0x2e: {  	s28 =	sadd.s32 s26, s7;
	s29 =	simm.s32 @p0 $0x2;
	[sflag:s17] =	ssyncadd.s32 $0xFFFFC000  }
0x2f: {  	[hbm4b:s28+s2] =	stream.linear.scatter [tilespmem:s12], [sflag:$0x5], $0x4000, $0x38;
	[tilespmem:$0x16400] =	vst v63  }
0x30: {  	_ =	swait.ge @p0 [sflag:s29], $0x4000  }
0x31: {  	[sflag:s29] =	ssyncset.done @p0 $0x0  }
0x32: {  	s30 =	simm.s32 @p0 $0xA400;
	[sflag:s29] =	ssyncadd.s32 @p0 $0xFFFFC000;
	s29 =	simm.s32 @p0 $0x0  }
0x33: {  	[hbm4b:s5+s29] =	stream.linear.scatter @p0 [tilespmem:s30], [sflag:$0x6], $0x4000, $0x38;
	[tilespmem:$0x16400] =	vst v63  }
0x34: {  	s29 =	simm.s32 @!p0 $0x5  }
0x35: {  	_ =	swait.ge @!p0 [sflag:s29], $0x4000  }
0x36: {  	s31 =	simm.s32 @!p0 $0x6400;
	[sflag:s29] =	ssyncset.done @!p0 $0x0  }
0x37: {  	s30 =	simm.s32 @!p0 $0x100;
	[sflag:s29] =	ssyncadd.s32 @!p0 $0xFFFFC000;
	s29 =	sadd.s32 @!p0 $0xFFFFFD00, s25  }
0x38: {  	[tilespmem:s31], [sflag:$0x1] =	stream.indirect.gather @!p0 [hbm4b:s3+s30], $0x40, s29, s30, $0xb8;
	[tilespmem:$0x16400] =	vst v63  }
0x39: {  	s29 =	simm.s32 @!p0 $0x2  }
0x3a: {  	_ =	swait.ge @!p0 [sflag:s29], $0x4000  }
0x3b: {  	[sflag:s29] =	ssyncset.done @!p0 $0x0  }
0x3c: {  	[sflag:s29] =	ssyncadd.s32 @!p0 $0xFFFFC000;
	s29 =	sadd.s32 @!p0 s26, s7  }
0x3d: {  	s0 =	simm.s32 @!p0 $0xA400;
	s31 =	simm.s32 @!p0 $0x0;
	s29 =	sadd.s32 @!p0 $0x800, s29  }
0x3e: {  	[hbm4b:s29+s31] =	stream.linear.scatter @!p0 [tilespmem:s0], [sflag:$0x6], $0x4000, $0x38;
	[tilespmem:$0x16400] =	vst v63  }
0x3f: {  	s29 =	simm.s32 @!p0 $0x6  }
0x40: {  	_ =	swait.ge @!p0 [sflag:s29], $0x4000  }
0x41: {  	[sflag:s29] =	ssyncset.done @!p0 $0x0  }
0x42: {  	[sflag:s29] =	ssyncadd.s32 @!p0 $0xFFFFC000;
	s29 =	sadd.s32 @!p0 $0xFFFFFE00, s25  }
0x43: {  	[tilespmem:s0], [sflag:$0x2] =	stream.indirect.gather @!p0 [hbm4b:s3+s30], $0x40, s29, s30, $0xb8;
	[tilespmem:$0x16400] =	vst v63  }
.Ltmp2:
0x44: {  	_ = 	snop;
	(pc) =	sbr.rel @p0 .LBB2_4-.Ltmp2, $4  }
0x45: {  	_ =	swait.ge [sflag:s18], $0x4000  }
0x46: {  	[sflag:s18] =	ssyncset.done $0x0  }
0x47: {  	s31 =	sadd.s32 $0x20000, s28;
	s28 =	sadd.s32 $0x20800, s28;
	[sflag:s18] =	ssyncadd.s32 $0xFFFFC000  }
0x48: {  	[hbm4b:s31+s2] =	stream.linear.scatter [tilespmem:s14], [sflag:$0x7], $0x4000, $0x38;
	[tilespmem:$0x16400] =	vst v63  }
0x49: {  	_ =	swait.ge [sflag:s22], $0x4000  }
0x4a: {  	[sflag:s22] =	ssyncset.done $0x0  }
0x4b: {  	s0 =	sadd.s32 $0xFFFFFF00, s25;
	[sflag:s22] =	ssyncadd.s32 $0xFFFFC000  }
0x4c: {  	[tilespmem:s14], [sflag:$0x3] =	stream.indirect.gather [hbm4b:s3+s11], $0x40, s0, s11, $0xb8;
	[tilespmem:$0x16400] =	vst v63  }
0x4d: {  	_ =	swait.ge [sflag:s19], $0x4000  }
0x4e: {  	[sflag:s19] =	ssyncset.done $0x0  }
0x4f: {  	[sflag:s19] =	ssyncadd.s32 $0xFFFFC000  }
0x50: {  	[hbm4b:s28+s2] =	stream.linear.scatter [tilespmem:s16], [sflag:$0x8], $0x4000, $0x38;
	[tilespmem:$0x16400] =	vst v63  }
.Ltmp3:
0x51: {  	_ =	swait.ge [sflag:s23], $0x4000;
	(pc) =	sbr.rel .LBB2_2-.Ltmp3, $4  }
0x52: {  	[sflag:s23] =	ssyncset.done $0x0  }
0x53: {  	[sflag:s23] =	ssyncadd.s32 $0xFFFFC000  }
0x54: {  	[tilespmem:s16], [sflag:$0x4] =	stream.indirect.gather [hbm4b:s3+s11], $0x40, s25, s11, $0xb8;
	[tilespmem:$0x16400] =	vst v63  }
0x55: {  	s26 =	sadd.s32 $0x40000, s26;
	s25 =	sadd.s32 $0x400, s25  }
.LBB2_5:
0x56: {  	_ =	sfence.sel $0x180000  }
0x57: {  	[bflag:$0x0] =	sbarrier.arrive $0xFFFF  }
0x58: {  	_ =	strace $0x90000047  }
0x59: {  	[bflag:$0x2] =	sbarrier.arrive $0xFFFF  }
0x5a: {  	p0 =	sne.s32 s1, $0x0;
	s0 =	rddreg [dreg:$0x2]  }
0x5b: {  	s0 =	sadd.s32 @!p0 $0x100000, s0  }
0x5c: {  	[sflag:s0] =	ssyncadd.tile.s32 @!p0 $0x1;
	_ =	shalt  }
.Lfunc_end2:
_tile_overlayer_lowered:
.L_overlay_start_2:
0x5d: {  	(tag) =	ssettag $0x2  }
0x5e: {  	s0 =	rddreg [dreg:$0x0];
	s2 =	stileid.u32  }
0x5f: {  	s1 =	rddreg [dreg:$0x1];
	p0 =	sne.s32 s2, $0x0  }
0x60: {  	s3 =	rddreg [dreg:$0x2];
	[bflag:$0x3] =	sbarrier.arrive $0xFFFF;
	s2 =	simm.s32 @!p0 $0x1C09  }
0x61: {  	[timem:s3], [sflag:s2] =	dma.local @!p0 [hbm:s0], s1  }
0x62: {  	s0 =	simm.s32 @!p0 $0x9  }
0x63: {  	_ =	swait.ge @!p0 [sflag:s0], s1  }
0x64: {  	s1 =	ssub.s32 @!p0 $0x0, s1;
	[sflag:s0] =	ssyncset.done @!p0 $0x0  }
0x65: {  	[sflag:s0] =	ssyncadd.s32 @!p0 s1  }
0x66: {  	[bflag:$0x3] =	sbarrier.arrive $0xFFFF  }
0x67: {  	_ =	shalt  }

// kernel: sparse-core-data-format-call.cloned.1.call-start
scs
called_computation_lowered:
.L_overlay_start_0:
0x0: {  	s2 =	sld [smem:$0x3FD9]  }
0x1: {  	s3 =	sld [smem:$0x3FFE];
	_ =	sdelay $0x1  }
0x2: {  	s1 =	srdreg.scid  }
0x3: {  	s0 =	sand.u32 $0x1, s1  }
0x4: {  	s18 =	sshll.u32 s0, $0xA;
	s2 =	sadd.s32 s3, s2  }
0x5: {  	s2 =	sadd.s32 s2, s18  }
0x6: {  	[smem:$0x3FC6] =	sst s2  }
0x7: {  	_ = 	snop  }
0x8: {  	s2 =	sld [smem:$0x3FD0];
	(tm) =	ssettm $0x1  }
0x9: {  	s19 =	sld [smem:$0x3FFB];
	_ =	sdelay $0x3  }
0xa: {  	_ =	strace s19  }
0xb: {  	s3 =	sld [smem:$0x3FFC];
	_ =	sdelay $0x3  }
0xc: {  	_ =	strace s3  }
0xd: {  	s3 =	sld [smem:$0x3FFD];
	_ =	sdelay $0x3  }
0xe: {  	_ =	strace s3  }
0xf: {  	_ =	strace $0x8FFFFFFF  }
0x10: {  	s20 =	sld [smem:$0x3FDB];
	_ =	sdelay $0x1  }
0x11: {  	s4 =	simm.s32 $_scs_section_size  }
0x12: {  	s5 =	simm.s32 $_size__tile_overlayer_lowered;
	s6 =	simm.s32 $_tile_overlayer_lowered  }
0x13: {  	s23 =	simm.s32 $0x1BFF;
	s22 =	sshll.u32 s6, $0x1;
	s3 =	sadd.s32 s4, s20  }
0x14: {  	s7 =	simm.s32 $0x0;
	s21 =	sshll.u32 s5, $0x1;
	s5 =	sadd.s32 s22, s3  }
0x15: {  	[timem:s7], [sflag:s23] =	dma.local [hbm:s5], s21  }
0x16: {  	_ =	swait.ge [sflag:s23], s21  }
0x17: {  	s4 =	ssub.s32 $0x0, s21;
	[sflag:s23] =	ssyncset.done $0x0  }
0x18: {  	[sflag:s23] =	ssyncadd.s32 s4;
	_ =	sdelay $0x1  }
0x19: {  	s24 =	simm.s32 $0x1B8B  }
0x1a: {  	_ =	swait.ge [sflag:s24], $0x1  }
0x1b: {  	[sflag:s24] =	ssyncset.done $0x0  }
0x1c: {  	s26 =	simm.s32 $0x1B8E;
	s25 =	sld [smem:$0x3FFE];
	[sflag:s24] =	ssyncadd.s32 $0xFFFFFFFF  }
0x1d: {  	s27 =	simm.s32 $execute0_lowered;
	[smem:$0x3FD2] =	sst s26  }
0x1e: {  	s5 =	sshll.u32 s27, $0x1;
	_ =	strace $0x80000049;
	[dreg:$0x1] =	wrdreg $0xFFFFFFFF  }
0x1f: {  	s28 =	simm.s32 $_size_execute0_lowered;
	s3 =	sadd.s32 s3, s5;
	[dreg:$0x0] =	wrdreg $0x0  }
0x20: {  	s5 =	sshll.u32 s28, $0x1;
	[dreg:$0x2] =	wrdreg s3  }
0x21: {  	[dreg:$0x3] =	wrdreg s5  }
0x22: {  	[dreg:$0x4] =	wrdreg $0xC0  }
0x23: {  	_ =	task [dreg:s7], $0x5FFFF  }
0x24: {  	[dreg:$0x1] =	wrdreg $0xFFFFFFFF  }
0x25: {  	[dreg:$0x0] =	wrdreg $0x60  }
0x26: {  	[dreg:$0x2] =	wrdreg s25  }
0x27: {  	[dreg:$0x3] =	wrdreg s2  }
0x28: {  	[dreg:$0x4] =	wrdreg $0x9  }
0x29: {  	_ =	task.clear_ibuf [dreg:s7], $0x5FFFF;
	_ =	strace $0x90000049  }
0x2a: {  	s29 =	simm.s32 $0x9;
	_ =	strace $0x8000004B  }
0x2b: {  	_ =	swait.ge [sflag:s29], $0x1  }
0x2c: {  	[sflag:s29] =	ssyncadd.s32 $0xFFFFFFFF  }
0x2d: {  	_ =	strace $0x9000004B  }
0x2e: {  	_ =	sfence  }
0x2f: {  	s30 =	sld [smem:$0x0];
	_ =	sdelay $0x2  }
0x30: {  	s31 =	sshll.u32 s1, $0xD;
	s1 =	sshrl.u32 s1, $0x2  }
0x31: {  	s3 =	sand.u32 $0x4000, s31;
	s1 =	sadd.s32 s1, s30  }
0x32: {  	s0 =	sor.u32 s3, s0;
	s1 =	sshll.u32 s1, $0x11  }
0x33: {  	s0 =	sor.u32 s1, s0  }
0x34: {  	s0 =	sadd.s32 $0x8F2B, s0  }
0x35: {  	[sflag:s0] =	ssyncadd.remote.s32 $0x1  }
0x36: {  	_ =	sfence.sel $0xFFFF  }
0x37: {  	[dreg:$0x0] =	wrdreg $0xFFFFFFFF;
	(pc) =	sbr.abs _section_cstart, $3  }
0x38: {  	[dreg:$0x1] =	wrdreg $0xFFFFFFFF  }
0x39: {  	_ =	task.clear_ibuf [dreg:s7], $0x2FFFF;
	_ =	strace $0x9FFFFFFF  }
0x3a: {  	(tm) =	ssettm $0x7FFFFFFF  }
0x3b: {  	_ =	shalt  }
tec
execute0_lowered:
.L_overlay_start_1:
0x0: {  	(tag) =	ssettag $0x1  }
0x1: {  	s0 =	srdreg.scid  }
0x2: {  	s1 =	sshll.u32 s0, $0x4  }
0x3: {  	s0 =	stileid.u32;
	s1 =	sand.u32 $0x10, s1  }
0x4: {  	s7 =	rddreg [dreg:$0x0];
	s1 =	sor.u32 s0, s1  }
0x5: {  	s4 =	simm.s32 $0x1;
	s8 =	simm.s32 $0x2;
	s2 =	sshll.u32 s1, $0x7  }
0x6: {  	s13 =	simm.s32 $0x0;
	s9 =	simm.s32 $0x20000;
	s1 =	ssub.s32 $0x4000, s2  }
0x7: {  	s14 =	simm.s32 $0x0;
	s11 =	simm.s32 $0x0;
	s3 =	sand.u32 $0xF80, s1  }
0x8: {  	s12 =	simm.s32 $0x0;
	s5 =	sshrl.u32 s1, $0xC;
	p0 =	sne.s32 s3, $0x0  }
.Ltmp0:
0x9: {  	s1 =	rddreg [dreg:$0x2];
	s4 =	simm.s32 @!p0 $0x0;
	(pc) =	sbr.rel .LBB1_1-.Ltmp0, $4  }
0xa: {  	s6 =	sadd.s32 $0xA00, s7;
	s3 =	rddreg [dreg:$0x1];
	s5 =	sadd.s32 s4, s5  }
0xb: {  	_ =	strace $0x8000004A;
	s4 =	simm.s32 $0x1;
	s5 =	smul.u32 $0x19, s5  }
0xc: {  	s7 =	sadd.s32 $0x40A00, s7;
	s10 =	smov.u32 s2;
	[sflag:s4] =	ssyncpa.u1 $0x0  }
0xd: {  	p0 =	por $0x0, $0x0;
	[sflag:s8] =	ssyncpa.u1 $0x0;
	s8 =	sadd.s32 $0x1, s5  }
.LBB1_7:
0xe: {  	s15 =	sadd.s32 $0x1000, s10  }
0xf: {  	s13 =	sadd.s32 $0x2, s11;
	s17 =	smov.u32 s11;
	p2 =	sgt.s32 s15, $0x3FFF  }
0x10: {  	s17 =	smov.u32 @p2 s13  }
0x11: {  	s15 =	smov.u32 @p2 s2;
	p2 =	sgt.s32 s17, $0x31  }
0x12: {  	s17 =	simm.s32 @p2 $0x0;
	p2 =	sne.s32 s12, s8  }
.Ltmp1:
0x13: {  	p1 =	slt.u32 s12, $0x2;
	(pc) =	sbr.rel @!p2 .LBB1_8-.Ltmp1, $4  }
0x14: {  	s16 =	simm.s32 @!p1 $0x2  }
0x15: {  	s14 =	smov.u32 s11;
	p0 =	por !p0, !p0;
	_ =	swait.ge @!p1 [sflag:s16], $0x4000  }
0x16: {  	s13 =	smov.u32 s10;
	[sflag:s16] =	ssyncset.done @!p1 $0x0;
	s10 =	smov.u32 s15  }
0x17: {  	s12 =	sadd.s32 $0x1, s12;
	[sflag:s16] =	ssyncadd.s32 @!p1 $0xFFFFC000;
	s11 =	smov.u32 s17  }
.LBB1_1:
0x18: {  	p1 =	sge.u32 s12, s5  }
0x19: {  	s15 =	sxor.u32 @!p1 $0xFFFFFFFF, s12;
	s16 =	sshll.u32 @!p1 s11, $0x12  }
0x1a: {  	s17 =	sshll.u32 @!p1 s10, $0x4;
	s19 =	simm.s32 @!p1 $0x40;
	s20 =	simm.s32 @!p1 $0x80  }
0x1b: {  	s15 =	sshll.u32 @!p1 s15, $0xE;
	s17 =	sand.u32 @!p1 $0x3FFF0, s17;
	s18 =	sadd.s32 @!p1 s6, s16  }
0x1c: {  	s16 =	sadd.s32 @!p1 s16, s7;
	s15 =	sand.u32 @!p1 $0x4000, s15;
	s18 =	sadd.s32 @!p1 s17, s18  }
0x1d: {  	[tilespmem:s15], [sflag:$0x1] =	stream.strided.gather @!p1 [hbm4b:s18+s19], $0x2000, s20, s19, $0x38;
	[tilespmem:$0x10100] =	vst v63  }
0x1e: {  	s31 =	sadd.s32 $0xFFFFFFFF, s12;
	s16 =	sadd.s32 @!p1 s17, s16;
	s15 =	sor.u32 @!p1 $0x2000, s15  }
0x1f: {  	[tilespmem:s15], [sflag:$0x1] =	stream.strided.gather @!p1 [hbm4b:s16+s19], $0x2000, s20, s19, $0x38;
	[tilespmem:$0x10100] =	vst v63  }
0x20: {  	p1 =	sge.u32 s31, s5  }
.Ltmp2:
0x21: {  	_ = 	snop;
	(pc) =	sbr.rel @p1 .LBB1_7-.Ltmp2, $1  }
0x22: {  	_ =	sdelay $0x3  }
0x23: {  	s15 =	simm.s32 $0x1;
	s17 =	sand.u32 $0x1, s12  }
0x24: {  	_ =	swait.ge [sflag:s4], $0x4000;
	s15 =	simm.s32 @!p0 $0x0;
	s17 =	smul.u32 $0x10200, s17  }
0x25: {  	p2 =	por $0x1, $0x1;
	[sflag:s4] =	ssyncset.done $0x0;
	s16 =	smul.u32 $0x10200, s15  }
0x26: {  	s18 =	sshll.u32 s15, $0x10;
	[sflag:s4] =	ssyncadd.s32 $0xFFFFC000;
	s30 =	sshrl.u32 s17, $0x2  }
0x27: {  	s31 =	sshrl.u32 s18, $0x2;
	s18 =	simm.s32 $0x0;
	s16 =	sshrl.u32 s16, $0x2  }
0x28: {  	s15 =	sor.u32 $0x8000, s30;
	s17 =	sadd.s32 $0x20, s31;
	s16 =	sor.u32 $0x8000, s16  }
.LBB1_3:
0x29: {  	s19 =	sshll.u32 s18, $0xD  }
0x2a: {  	s19 =	sand.u32 $0x3FFFE000, s19  }
0x2b: {  	s21 =	sadd.s32 s19, s17  }
0x2c: {  	s31 =	smul.u32 $0x8100, s18;
	v3 =	vld [tilespmem:s21+$0x10]  }
0x2d: {  	v1 =	vld [tilespmem:s21+$0xFFFFFFF0]  }
0x2e: {  	s18 =	sshra.s32 s31, $0x2;
	v0 =	vld [tilespmem:s21+$0x0]  }
0x2f: {  	s18 =	sadd.s32 s18, s16;
	v2 =	vld [tilespmem:s21+$0xFFFFFFE0]  }
0x30: {  	s19 =	sadd.s32 $0x0, s18  }
0x31: {  	p1 =	por p2, p2;
	s20 =	simm.s32 $0x4;
	s21 =	sadd.s32 $0x40, s21;
	[tilespmem:s19+$0x1830 ss:$0x81] =	vst.msk $0xffff, v3  }
.LBB1_4:
0x32: {  	v3 =	vld [tilespmem:s21+$0x10];
	p2 =	sne.s32 s20, $0x1FC;
	[tilespmem:s19+$0x810 ss:$0x81] =	vst.msk $0xffff, v1;
	s22 =	smov.u32 s20;
	s20 =	sadd.s32 $0x4, s20  }
.Ltmp3:
0x33: {  	v1 =	vld [tilespmem:s21+$0xFFFFFFF0];
	[tilespmem:s19+$0x1020 ss:$0x81] =	vst.msk $0xffff, v0;
	(pc) =	sbr.rel @p2 .LBB1_4-.Ltmp3, $4  }
0x34: {  	v0 =	vld [tilespmem:s21+$0x0];
	[tilespmem:s19+$0x0 ss:$0x81] =	vst.msk $0xffff, v2  }
0x35: {  	s19 =	sshra.s32 s22, $0x2;
	v2 =	vld [tilespmem:s21+$0xFFFFFFE0]  }
0x36: {  	s19 =	sadd.s32 s19, s18  }
0x37: {  	s21 =	sadd.s32 $0x40, s21;
	[tilespmem:s19+$0x1830 ss:$0x81] =	vst.msk $0xffff, v3  }
.Ltmp4:
0x38: {  	(pc) =	sbr.rel @p1 .LBB1_3-.Ltmp4, $4  }
0x39: {  	_ = 	snop  }
0x3a: {  	[tilespmem:s19+$0x810 ss:$0x81] =	vst.msk $0xffff, v1  }
0x3b: {  	[tilespmem:s19+$0x1020 ss:$0x81] =	vst.msk $0xffff, v0  }
0x3c: {  	s18 =	simm.s32 $0x1;
	p2 =	por $0x0, $0x0;
	[tilespmem:s19+$0x0 ss:$0x81] =	vst.msk $0xffff, v2  }
0x3d: {  	s16 =	sshll.u32 s13, $0x3;
	s17 =	sand.u32 $0x78, s13;
	s14 =	sshll.u32 s14, $0x11  }
.Ltmp5:
0x3e: {  	s30 =	sand.u32 $0x1F800, s13;
	s16 =	sand.u32 $0x3C00, s16;
	(pc) =	sbr.rel .LBB1_7-.Ltmp5, $4  }
0x3f: {  	s31 =	sand.u32 $0x7, s13;
	s14 =	sadd.s32 s3, s14;
	s16 =	sor.u32 s17, s16  }
0x40: {  	s13 =	sshll.u32 s31, $0x12;
	s14 =	sadd.s32 s30, s14;
	s16 =	sshrl.u32 s16, $0x3  }
0x41: {  	s13 =	sor.u32 $0x400, s13;
	s14 =	sadd.s32 s16, s14  }
0x42: {  	[hbm4b:s14+s13] =	stream.strided.scatter [tilespmem:s15], [sflag:$0x2], $0x4000, s9, s13, $0x20;
	[tilespmem:$0x10100] =	vst v63  }
.LBB1_8:
0x43: {  	_ =	sfence.sel $0x180000  }
0x44: {  	s2 =	simm.s32 $0x1;
	[bflag:$0x0] =	sbarrier.arrive $0xFFFF  }
0x45: {  	s31 =	simm.s32 $0x2;
	[sflag:s2] =	ssyncpa.u1 $0x1  }
0x46: {  	[sflag:s31] =	ssyncpa.u1 $0x1  }
0x47: {  	p0 =	sne.s32 s0, $0x0;
	_ =	strace $0x9000004A  }
0x48: {  	s0 =	sadd.s32 @!p0 $0x100000, s1;
	[bflag:$0x2] =	sbarrier.arrive $0xFFFF  }
0x49: {  	[sflag:s0] =	ssyncadd.tile.s32 @!p0 $0x1;
	_ =	shalt  }
.Lfunc_end1:
_tile_overlayer_lowered:
.L_overlay_start_2:
0x4a: {  	(tag) =	ssettag $0x2  }
0x4b: {  	s0 =	rddreg [dreg:$0x0];
	s2 =	stileid.u32  }
0x4c: {  	s1 =	rddreg [dreg:$0x1];
	p0 =	sne.s32 s2, $0x0  }
0x4d: {  	s3 =	rddreg [dreg:$0x2];
	[bflag:$0x3] =	sbarrier.arrive $0xFFFF;
	s2 =	simm.s32 @!p0 $0x1C01  }
0x4e: {  	[timem:s3], [sflag:s2] =	dma.local @!p0 [hbm:s0], s1  }
0x4f: {  	s0 =	simm.s32 @!p0 $0x1  }
0x50: {  	_ =	swait.ge @!p0 [sflag:s0], s1  }
0x51: {  	s1 =	ssub.s32 @!p0 $0x0, s1;
	[sflag:s0] =	ssyncset.done @!p0 $0x0  }
0x52: {  	[sflag:s0] =	ssyncadd.s32 @!p0 s1  }
0x53: {  	[bflag:$0x3] =	sbarrier.arrive $0xFFFF  }
0x54: {  	_ =	shalt  }

</sc_bundles>
